<compile_context>
chip_gen: v7x
topology: tpu7x:2x2x1
jax: 0.10.2.dev20260603
libtpu: 0.0.44.dev20260713+nightly
codegen_flags: <defaults>
</compile_context>

<pallas_src>
import jax
import jax.numpy as jnp
from jax import lax
from jax.experimental import pallas as pl
from jax.experimental.pallas import tpu as pltpu
from jax.experimental.pallas import tpu_sc as plsc

K = 512
ROWS = 64
COLS = 8192
LANES = 16
NUM_CORES = 2
NUM_SUBCORES = 16
NUM_WORKERS = NUM_CORES * NUM_SUBCORES
ROWS_PER_WORKER = ROWS // NUM_WORKERS
VREGS_PER_ROW = COLS // LANES
UNROLL = 16


def _sortable_key(xv):
    b = lax.bitcast_convert_type(xv, jnp.int32)
    return b ^ (jnp.right_shift(b, 31) & jnp.int32(0x7FFFFFFF))


def _hist_zero(hist_ref):
    zeros = jnp.zeros((LANES,), jnp.int32)
    for j in range(256 // LANES):
        hist_ref[pl.ds(j * LANES, LANES)] = zeros


def _hist_scan(hist_ref, k_rem):
    iota = lax.iota(jnp.int32, LANES)

    def cond(carry):
        found, j, rb_star, above, e, cum = carry
        return jnp.logical_and(found == 0, j < 256 // LANES)

    def body(carry):
        found, j, rb_star, above, e, cum = carry
        h = hist_ref[pl.ds(j * LANES, LANES)]
        c = plsc.cumsum(h)
        test = (cum + c) >= k_rem
        ffs = jnp.max(plsc.all_reduce_ffs(test))
        hit = ffs < LANES
        above_in = jnp.sum(jnp.where(iota < ffs, h, 0))
        e_in = jnp.sum(jnp.where(iota == ffs, h, 0))
        rb_star = jnp.where(hit, j * LANES + ffs, rb_star)
        above = jnp.where(hit, cum + above_in, above)
        e = jnp.where(hit, e_in, e)
        found = jnp.where(hit, jnp.int32(1), found)
        cum = cum + jnp.max(c)
        return found, j + 1, rb_star, above, e, cum

    z = jnp.int32(0)
    _, _, rb_star, above, e, _ = lax.while_loop(
        cond, body, (z, z, z, z, z, z))
    return rb_star, above, e


def _topk_body(x_hbm, out_hbm, rows_ref, keys_ref, hist_ref,
               sem_in, sem_out):
    wid = lax.axis_index("s") * NUM_CORES + lax.axis_index("c")
    base_row = wid * ROWS_PER_WORKER
    for r in range(ROWS_PER_WORKER):
        pltpu.async_copy(x_hbm.at[base_row + r],
                         rows_ref.at[pl.ds(r * COLS, COLS)], sem_in)

    ones = jnp.ones((LANES,), jnp.int32)
    zero_f = jnp.float32(0.0)

    def per_row(r, _):
        roff = r * COLS
        pltpu.make_async_copy(
            x_hbm.at[base_row],
            rows_ref.at[pl.ds(roff, COLS)], sem_in).wait()

        _hist_zero(hist_ref)

        @plsc.parallel_loop(0, VREGS_PER_ROW, unroll=UNROLL)
        def l0_body(i):
            sl = pl.ds(roff + i * LANES, LANES)
            skey = _sortable_key(rows_ref[sl])
            keys_ref[sl] = skey
            rb = jnp.int32(127) - jnp.right_shift(skey, 24)
            plsc.addupdate_scatter(hist_ref, [rb], ones)

        rb_star, above, e0 = _hist_scan(hist_ref, jnp.int32(K))

        def per_level(carry):
            lvl, thr, k_rem, _ = carry
            shift = 24 - 8 * lvl
            pmask = lax.shift_left(jnp.int32(-1), shift + 8)

            _hist_zero(hist_ref)

            @plsc.parallel_loop(0, VREGS_PER_ROW, unroll=UNROLL)
            def ln_body(i):
                sl = pl.ds(roff + i * LANES, LANES)
                k = keys_ref[sl]
                pm = (k & pmask) == thr
                rb = jnp.int32(255) - (jnp.right_shift(k, shift) & 255)
                plsc.addupdate_scatter(hist_ref, [rb], ones, mask=pm)

            rb_star, above, e = _hist_scan(hist_ref, k_rem)
            k_rem = k_rem - above
            thr = thr | lax.shift_left(jnp.int32(255) - rb_star, shift)
            return lvl + 1, thr, k_rem, e

        def level_cond(carry):
            lvl, thr, k_rem, e = carry
            return jnp.logical_and(lvl < 4, e != k_rem)

        thr = lax.shift_left(jnp.int32(127) - rb_star, 24)
        k_rem = jnp.int32(K) - above
        _, thr, k_rem, e = lax.while_loop(
            level_cond, per_level, (jnp.int32(1), thr, k_rem, e0))

        def fast_sweep():
            thr_b = thr ^ (jnp.right_shift(thr, 31) & jnp.int32(0x7FFFFFFF))
            thr_f = lax.bitcast_convert_type(
                jnp.broadcast_to(thr_b, (LANES,)), jnp.float32)

            @plsc.parallel_loop(0, VREGS_PER_ROW, unroll=UNROLL)
            def body(i):
                sl = pl.ds(roff + i * LANES, LANES)
                xv = rows_ref[sl]
                rows_ref[sl] = jnp.where(xv >= thr_f, xv, zero_f)

        def tie_sweep():
            def body(i, run):
                for u in range(UNROLL):
                    sl = pl.ds(roff + (i * UNROLL + u) * LANES, LANES)
                    k = keys_ref[sl]
                    xv = rows_ref[sl]
                    eq = k == thr
                    m = eq.astype(jnp.int32)
                    pc = plsc.cumsum(m)
                    keep = (k > thr) | (eq & ((run + pc) <= k_rem))
                    rows_ref[sl] = jnp.where(keep, xv, zero_f)
                    run = run + jnp.max(pc)
                return run

            lax.fori_loop(0, VREGS_PER_ROW // UNROLL, body, jnp.int32(0))

        lax.cond(e == k_rem, fast_sweep, tie_sweep)

        pltpu.async_copy(rows_ref.at[pl.ds(roff, COLS)],
                         out_hbm.at[base_row + r], sem_out)
        return 0

    lax.fori_loop(0, ROWS_PER_WORKER, per_row, 0)

    for r in range(ROWS_PER_WORKER):
        pltpu.make_async_copy(
            rows_ref.at[pl.ds(r * COLS, COLS)],
            out_hbm.at[base_row + r], sem_out).wait()


@jax.jit
def kernel(x):
    mesh = plsc.VectorSubcoreMesh(
        core_axis_name="c", subcore_axis_name="s",
        num_cores=NUM_CORES, num_subcores=NUM_SUBCORES)
    return pl.kernel(
        _topk_body,
        out_type=jax.ShapeDtypeStruct((ROWS, COLS), jnp.float32),
        mesh=mesh,
        scratch_types=[
            pltpu.VMEM((ROWS_PER_WORKER * COLS,), jnp.float32),
            pltpu.VMEM((ROWS_PER_WORKER * COLS,), jnp.int32),
            pltpu.VMEM((256,), jnp.int32),
            pltpu.SemaphoreType.DMA,
            pltpu.SemaphoreType.DMA,
        ],
        compiler_params=pltpu.CompilerParams(needs_layout_passes=False),
    )(x)

# --- scband reference (transcript-rebuilt; emitter-appended) ---
"""Pipeline reference for scband-top-k-11235634446740 (READ-ONLY COPY).

The authoritative reference and input builder live on the scoring server;
editing this copy changes nothing except your own understanding.
"""

import jax, jax.numpy as jnp
import numpy as np

K = 512

def setup_inputs(seed: int = 0) -> dict:
    key = jax.random.key(seed)
    x = jax.random.normal(key, (64, 8192), dtype=jnp.float32)
    return {"x": x}

def reference(x):
    # x.topk(k=K, dim=-1).indices
    vals, idx = jax.lax.top_k(x, K)
    # mask = zeros_like(x); mask.scatter_(-1, indices, 1)
    row_idx = jnp.arange(x.shape[0])[:, None]
    mask = jnp.zeros_like(x).at[row_idx, idx].set(1.0)
    return x * mask

if __name__ == "__main__":
    import jax
    _d = setup_inputs()
    print(jax.jit(kernel)(*tuple(_d.values())))

</pallas_src>

<mosaic_0001>
#map = affine_map<(d0, d1) -> (0, 0)>
module attributes {stable_mosaic.version = 14 : i64} {
  func.func @_topk_body(%arg0: i32, %arg1: i32, %arg2: memref<64x8192xf32, #tpu.memory_space<hbm>>, %arg3: memref<64x8192xf32, #tpu.memory_space<hbm>>, %arg4: memref<16384xf32, #tpu.memory_space<vmem>>, %arg5: memref<16384xi32, #tpu.memory_space<vmem>>, %arg6: memref<256xi32, #tpu.memory_space<vmem>>, %arg7: memref<!tpu.dma_semaphore, #tpu.memory_space<semaphore_mem>>, %arg8: memref<!tpu.dma_semaphore, #tpu.memory_space<semaphore_mem>>) attributes {dimension_semantics = [#tpu.dimension_semantics<core_parallel>, #tpu.dimension_semantics<subcore_parallel>], iteration_bounds = array<i64: 2, 16>, scalar_prefetch = 0 : i64, scratch_operands = 5 : i64, tpu.core_type = #tpu.core_type<sc_vector_subcore>, window_params = [{transform_indices = #map}, {transform_indices = #map}]} {
    %mul3A = arith.constant 2 : i32
    %mul3A_0 = arith.muli %arg1, %mul3A : i32
    %add3A = arith.addi %mul3A_0, %arg0 : i32
    %mul3A_1 = arith.constant 2 : i32
    %mul3A_2 = arith.muli %add3A, %mul3A_1 : i32
    %add3A_3 = arith.constant 0 : i32
    %add3A_4 = arith.addi %mul3A_2, %add3A_3 : i32
    %dma_start3A = arith.constant 0 : i32
    %dma_start3A_5 = tpu.memref_slice %arg4[%dma_start3A] : memref<16384xf32, #tpu.memory_space<vmem>> -> memref<8192xf32, #tpu.memory_space<vmem>>
    %dma_start3A_6 = arith.constant 0 : i32
    %dma_start3A_7 = tpu.memref_slice %arg2[%add3A_4, %dma_start3A_6] : memref<64x8192xf32, #tpu.memory_space<hbm>> -> memref<1x8192xf32, #tpu.memory_space<hbm>>
    %dma_start3A_8 = tpu.memref_squeeze %dma_start3A_7 : memref<1x8192xf32, #tpu.memory_space<hbm>> -> memref<8192xf32, #tpu.memory_space<hbm>>
    %dma_start3A_9 = arith.constant 0 : i32
    %dma_start3A_10 = tpu.memref_slice %arg4[%dma_start3A_9] : memref<16384xf32, #tpu.memory_space<vmem>> -> memref<8192xf32, #tpu.memory_space<vmem>>
    %dma_start3A_11 = arith.constant 0 : i32
    %dma_start3A_12 = tpu.memref_slice %arg2[%add3A_4, %dma_start3A_11] : memref<64x8192xf32, #tpu.memory_space<hbm>> -> memref<1x8192xf32, #tpu.memory_space<hbm>>
    %dma_start3A_13 = tpu.memref_squeeze %dma_start3A_12 : memref<1x8192xf32, #tpu.memory_space<hbm>> -> memref<8192xf32, #tpu.memory_space<hbm>>
    tpu.enqueue_dma source(%dma_start3A_13 : memref<8192xf32, #tpu.memory_space<hbm>>) target(%dma_start3A_10 : memref<8192xf32, #tpu.memory_space<vmem>>) target_semaphore(%arg7 : memref<!tpu.dma_semaphore, #tpu.memory_space<semaphore_mem>>)
    %add3A_14 = arith.constant 1 : i32
    %add3A_15 = arith.addi %mul3A_2, %add3A_14 : i32
    %dma_start3A_16 = arith.constant 8192 : i32
    %dma_start3A_17 = tpu.memref_slice %arg4[%dma_start3A_16] : memref<16384xf32, #tpu.memory_space<vmem>> -> memref<8192xf32, #tpu.memory_space<vmem>>
    %dma_start3A_18 = arith.constant 0 : i32
    %dma_start3A_19 = tpu.memref_slice %arg2[%add3A_15, %dma_start3A_18] : memref<64x8192xf32, #tpu.memory_space<hbm>> -> memref<1x8192xf32, #tpu.memory_space<hbm>>
    %dma_start3A_20 = tpu.memref_squeeze %dma_start3A_19 : memref<1x8192xf32, #tpu.memory_space<hbm>> -> memref<8192xf32, #tpu.memory_space<hbm>>
    %dma_start3A_21 = arith.constant 8192 : i32
    %dma_start3A_22 = tpu.memref_slice %arg4[%dma_start3A_21] : memref<16384xf32, #tpu.memory_space<vmem>> -> memref<8192xf32, #tpu.memory_space<vmem>>
    %dma_start3A_23 = arith.constant 0 : i32
    %dma_start3A_24 = tpu.memref_slice %arg2[%add3A_15, %dma_start3A_23] : memref<64x8192xf32, #tpu.memory_space<hbm>> -> memref<1x8192xf32, #tpu.memory_space<hbm>>
    %dma_start3A_25 = tpu.memref_squeeze %dma_start3A_24 : memref<1x8192xf32, #tpu.memory_space<hbm>> -> memref<8192xf32, #tpu.memory_space<hbm>>
    tpu.enqueue_dma source(%dma_start3A_25 : memref<8192xf32, #tpu.memory_space<hbm>>) target(%dma_start3A_22 : memref<8192xf32, #tpu.memory_space<vmem>>) target_semaphore(%arg7 : memref<!tpu.dma_semaphore, #tpu.memory_space<semaphore_mem>>)
    %broadcast_in_dim3A = arith.constant 1 : i32
    %broadcast_in_dim3A_26 = vector.broadcast %broadcast_in_dim3A : i32 to vector<16xi32>
    %scan3A = arith.constant 0.000000e+00 : f32
    %scan3A_27 = arith.constant 0 : i32
    %scan3A_28 = arith.constant 0 : i32
    %scan3A_29 = arith.constant 2 : i32
    %scan3A_30 = arith.addi %scan3A_28, %scan3A_29 : i32
    %scan3A_31 = arith.constant 1 : i32
    %scan3A_32 = scf.for %scan3A_57 = %scan3A_28 to %scan3A_30 step %scan3A_31 iter_args(%scan3A_58 = %scan3A_27) -> (i32)  : i32 {
      %mul3A_59 = arith.constant 8192 : i32
      %mul3A_60 = arith.muli %scan3A_57, %mul3A_59 : i32
      %dma_wait3A_61 = tpu.memref_slice %arg4[%mul3A_60] : memref<16384xf32, #tpu.memory_space<vmem>> -> memref<8192xf32, #tpu.memory_space<vmem>>
      %dma_wait3A_62 = arith.constant 0 : i32
      %dma_wait3A_63 = tpu.memref_slice %arg2[%mul3A_2, %dma_wait3A_62] : memref<64x8192xf32, #tpu.memory_space<hbm>> -> memref<1x8192xf32, #tpu.memory_space<hbm>>
      %dma_wait3A_64 = tpu.memref_squeeze %dma_wait3A_63 : memref<1x8192xf32, #tpu.memory_space<hbm>> -> memref<8192xf32, #tpu.memory_space<hbm>>
      %dma_wait3A_65 = tpu.memref_slice %arg4[%mul3A_60] : memref<16384xf32, #tpu.memory_space<vmem>> -> memref<8192xf32, #tpu.memory_space<vmem>>
      %dma_wait3A_66 = arith.constant 0 : i32
      %dma_wait3A_67 = tpu.memref_slice %arg2[%mul3A_2, %dma_wait3A_66] : memref<64x8192xf32, #tpu.memory_space<hbm>> -> memref<1x8192xf32, #tpu.memory_space<hbm>>
      %dma_wait3A_68 = tpu.memref_squeeze %dma_wait3A_67 : memref<1x8192xf32, #tpu.memory_space<hbm>> -> memref<8192xf32, #tpu.memory_space<hbm>>
      tpu.wait_dma2 semaphore(%arg7 : memref<!tpu.dma_semaphore, #tpu.memory_space<semaphore_mem>>) src(%dma_wait3A_68 : memref<8192xf32, #tpu.memory_space<hbm>>) dst(%dma_wait3A_65 : memref<8192xf32, #tpu.memory_space<vmem>>)
      %broadcast_in_dim3A_69 = arith.constant 0 : i32
      %broadcast_in_dim3A_70 = vector.broadcast %broadcast_in_dim3A_69 : i32 to vector<16xi32>
      %swap3A = arith.constant 0 : index
      %swap3A_71 = tpu.vector_load %arg6[%swap3A] {strides = array<i32>} : memref<256xi32, #tpu.memory_space<vmem>>, vector<16xi32>,
      tpu.vector_store %arg6[%swap3A], %broadcast_in_dim3A_70 {strides = array<i32>} : memref<256xi32, #tpu.memory_space<vmem>>, vector<16xi32>,
      %swap3A_72 = arith.constant 16 : index
      %swap3A_73 = tpu.vector_load %arg6[%swap3A_72] {strides = array<i32>} : memref<256xi32, #tpu.memory_space<vmem>>, vector<16xi32>,
      tpu.vector_store %arg6[%swap3A_72], %broadcast_in_dim3A_70 {strides = array<i32>} : memref<256xi32, #tpu.memory_space<vmem>>, vector<16xi32>,
      %swap3A_74 = arith.constant 32 : index
      %swap3A_75 = tpu.vector_load %arg6[%swap3A_74] {strides = array<i32>} : memref<256xi32, #tpu.memory_space<vmem>>, vector<16xi32>,
      tpu.vector_store %arg6[%swap3A_74], %broadcast_in_dim3A_70 {strides = array<i32>} : memref<256xi32, #tpu.memory_space<vmem>>, vector<16xi32>,
      %swap3A_76 = arith.constant 48 : index
      %swap3A_77 = tpu.vector_load %arg6[%swap3A_76] {strides = array<i32>} : memref<256xi32, #tpu.memory_space<vmem>>, vector<16xi32>,
      tpu.vector_store %arg6[%swap3A_76], %broadcast_in_dim3A_70 {strides = array<i32>} : memref<256xi32, #tpu.memory_space<vmem>>, vector<16xi32>,
      %swap3A_78 = arith.constant 64 : index
      %swap3A_79 = tpu.vector_load %arg6[%swap3A_78] {strides = array<i32>} : memref<256xi32, #tpu.memory_space<vmem>>, vector<16xi32>,
      tpu.vector_store %arg6[%swap3A_78], %broadcast_in_dim3A_70 {strides = array<i32>} : memref<256xi32, #tpu.memory_space<vmem>>, vector<16xi32>,
      %swap3A_80 = arith.constant 80 : index
      %swap3A_81 = tpu.vector_load %arg6[%swap3A_80] {strides = array<i32>} : memref<256xi32, #tpu.memory_space<vmem>>, vector<16xi32>,
      tpu.vector_store %arg6[%swap3A_80], %broadcast_in_dim3A_70 {strides = array<i32>} : memref<256xi32, #tpu.memory_space<vmem>>, vector<16xi32>,
      %swap3A_82 = arith.constant 96 : index
      %swap3A_83 = tpu.vector_load %arg6[%swap3A_82] {strides = array<i32>} : memref<256xi32, #tpu.memory_space<vmem>>, vector<16xi32>,
      tpu.vector_store %arg6[%swap3A_82], %broadcast_in_dim3A_70 {strides = array<i32>} : memref<256xi32, #tpu.memory_space<vmem>>, vector<16xi32>,
      %swap3A_84 = arith.constant 112 : index
      %swap3A_85 = tpu.vector_load %arg6[%swap3A_84] {strides = array<i32>} : memref<256xi32, #tpu.memory_space<vmem>>, vector<16xi32>,
      tpu.vector_store %arg6[%swap3A_84], %broadcast_in_dim3A_70 {strides = array<i32>} : memref<256xi32, #tpu.memory_space<vmem>>, vector<16xi32>,
      %swap3A_86 = arith.constant 128 : index
      %swap3A_87 = tpu.vector_load %arg6[%swap3A_86] {strides = array<i32>} : memref<256xi32, #tpu.memory_space<vmem>>, vector<16xi32>,
      tpu.vector_store %arg6[%swap3A_86], %broadcast_in_dim3A_70 {strides = array<i32>} : memref<256xi32, #tpu.memory_space<vmem>>, vector<16xi32>,
      %swap3A_88 = arith.constant 144 : index
      %swap3A_89 = tpu.vector_load %arg6[%swap3A_88] {strides = array<i32>} : memref<256xi32, #tpu.memory_space<vmem>>, vector<16xi32>,
      tpu.vector_store %arg6[%swap3A_88], %broadcast_in_dim3A_70 {strides = array<i32>} : memref<256xi32, #tpu.memory_space<vmem>>, vector<16xi32>,
      %swap3A_90 = arith.constant 160 : index
      %swap3A_91 = tpu.vector_load %arg6[%swap3A_90] {strides = array<i32>} : memref<256xi32, #tpu.memory_space<vmem>>, vector<16xi32>,
      tpu.vector_store %arg6[%swap3A_90], %broadcast_in_dim3A_70 {strides = array<i32>} : memref<256xi32, #tpu.memory_space<vmem>>, vector<16xi32>,
      %swap3A_92 = arith.constant 176 : index
      %swap3A_93 = tpu.vector_load %arg6[%swap3A_92] {strides = array<i32>} : memref<256xi32, #tpu.memory_space<vmem>>, vector<16xi32>,
      tpu.vector_store %arg6[%swap3A_92], %broadcast_in_dim3A_70 {strides = array<i32>} : memref<256xi32, #tpu.memory_space<vmem>>, vector<16xi32>,
      %swap3A_94 = arith.constant 192 : index
      %swap3A_95 = tpu.vector_load %arg6[%swap3A_94] {strides = array<i32>} : memref<256xi32, #tpu.memory_space<vmem>>, vector<16xi32>,
      tpu.vector_store %arg6[%swap3A_94], %broadcast_in_dim3A_70 {strides = array<i32>} : memref<256xi32, #tpu.memory_space<vmem>>, vector<16xi32>,
      %swap3A_96 = arith.constant 208 : index
      %swap3A_97 = tpu.vector_load %arg6[%swap3A_96] {strides = array<i32>} : memref<256xi32, #tpu.memory_space<vmem>>, vector<16xi32>,
      tpu.vector_store %arg6[%swap3A_96], %broadcast_in_dim3A_70 {strides = array<i32>} : memref<256xi32, #tpu.memory_space<vmem>>, vector<16xi32>,
      %swap3A_98 = arith.constant 224 : index
      %swap3A_99 = tpu.vector_load %arg6[%swap3A_98] {strides = array<i32>} : memref<256xi32, #tpu.memory_space<vmem>>, vector<16xi32>,
      tpu.vector_store %arg6[%swap3A_98], %broadcast_in_dim3A_70 {strides = array<i32>} : memref<256xi32, #tpu.memory_space<vmem>>, vector<16xi32>,
      %swap3A_100 = arith.constant 240 : index
      %swap3A_101 = tpu.vector_load %arg6[%swap3A_100] {strides = array<i32>} : memref<256xi32, #tpu.memory_space<vmem>>, vector<16xi32>,
      tpu.vector_store %arg6[%swap3A_100], %broadcast_in_dim3A_70 {strides = array<i32>} : memref<256xi32, #tpu.memory_space<vmem>>, vector<16xi32>,
      %parallel_loop3A = arith.constant 0 : i32
      %parallel_loop3A_102 = arith.constant 512 : i32
      %parallel_loop3A_103 = arith.constant 1 : i32
      scf.for %parallel_loop3A_128 = %parallel_loop3A to %parallel_loop3A_102 step %parallel_loop3A_103  : i32 {
        %parallel_loop3A_129 = arith.constant 16 : i32
        %parallel_loop3A_130 = arith.muli %parallel_loop3A_128, %parallel_loop3A_129 : i32
        %parallel_loop3A_131 = arith.addi %mul3A_60, %parallel_loop3A_130 : i32
        %parallel_loop3A_132 = arith.index_cast %parallel_loop3A_131 : i32 to index
        %parallel_loop3A_133 = tpu.vector_load %arg4[%parallel_loop3A_132] {strides = array<i32>} : memref<16384xf32, #tpu.memory_space<vmem>>, vector<16xf32>,
        %parallel_loop3A_134 = tpu.bitcast %parallel_loop3A_133 : vector<16xf32> -> vector<16xi32>
        %parallel_loop3A_135 = arith.constant 31 : i32
        %parallel_loop3A_136 = vector.broadcast %parallel_loop3A_135 : i32 to vector<16xi32>
        %parallel_loop3A_137 = arith.shrsi %parallel_loop3A_134, %parallel_loop3A_136 : vector<16xi32>
        %parallel_loop3A_138 = arith.constant 2147483647 : i32
        %parallel_loop3A_139 = vector.broadcast %parallel_loop3A_138 : i32 to vector<16xi32>
        %parallel_loop3A_140 = arith.andi %parallel_loop3A_137, %parallel_loop3A_139 : vector<16xi32>
        %parallel_loop3A_141 = arith.xori %parallel_loop3A_134, %parallel_loop3A_140 : vector<16xi32>
        %parallel_loop3A_142 = arith.index_cast %parallel_loop3A_131 : i32 to index
        %parallel_loop3A_143 = tpu.vector_load %arg5[%parallel_loop3A_142] {strides = array<i32>} : memref<16384xi32, #tpu.memory_space<vmem>>, vector<16xi32>,
        tpu.vector_store %arg5[%parallel_loop3A_142], %parallel_loop3A_141 {strides = array<i32>} : memref<16384xi32, #tpu.memory_space<vmem>>, vector<16xi32>,
        %parallel_loop3A_144 = arith.constant 24 : i32
        %parallel_loop3A_145 = vector.broadcast %parallel_loop3A_144 : i32 to vector<16xi32>
        %parallel_loop3A_146 = arith.shrsi %parallel_loop3A_141, %parallel_loop3A_145 : vector<16xi32>
        %parallel_loop3A_147 = arith.constant 127 : i32
        %parallel_loop3A_148 = vector.broadcast %parallel_loop3A_147 : i32 to vector<16xi32>
        %parallel_loop3A_149 = arith.subi %parallel_loop3A_148, %parallel_loop3A_146 : vector<16xi32>
        tpu.vector_store_idx %arg6[%parallel_loop3A_149], %broadcast_in_dim3A_26 {add = true} : memref<256xi32, #tpu.memory_space<vmem>>[vector<16xi32>], vector<16xi32>,
      } {sc.loop_unroll_factor = 16 : i64, sc.parallel_access}
      %iota3A = tpu.iota {dimensions = array<i32: 0>} : vector<16xi32>
      %while3A = arith.constant 512 : i32
      %while3A_104 = arith.constant 0 : i32
      %while3A_105 = arith.constant 0 : i32
      %while3A_106 = arith.constant 0 : i32
      %while3A_107 = arith.constant 0 : i32
      %while3A_108 = arith.constant 0 : i32
      %while3A_109 = arith.constant 0 : i32
      %while3A_110:6 = scf.while (%while3A_128 = %while3A_104, %while3A_129 = %while3A_105, %while3A_130 = %while3A_106, %while3A_131 = %while3A_107, %while3A_132 = %while3A_108, %while3A_133 = %while3A_109) : (i32, i32, i32, i32, i32, i32) -> (i32, i32, i32, i32, i32, i32) {
        %eq3A_134 = arith.constant 0 : i32
        %eq3A_135 = arith.cmpi eq, %while3A_128, %eq3A_134 : i32
        %lt3A = arith.constant 16 : i32
        %lt3A_136 = arith.cmpi slt, %while3A_129, %lt3A : i32
        %and3A = arith.andi %eq3A_135, %lt3A_136 : i1
        scf.condition(%and3A) %while3A_128, %while3A_129, %while3A_130, %while3A_131, %while3A_132, %while3A_133 : i32, i32, i32, i32, i32, i32
      } do {
      ^bb0(%while3A_128: i32, %while3A_129: i32, %while3A_130: i32, %while3A_131: i32, %while3A_132: i32, %while3A_133: i32):
        %mul3A_134 = arith.constant 16 : i32
        %mul3A_135 = arith.muli %while3A_129, %mul3A_134 : i32
        %get3A = arith.index_cast %mul3A_135 : i32 to index
        %get3A_136 = tpu.vector_load %arg6[%get3A] {strides = array<i32>} : memref<256xi32, #tpu.memory_space<vmem>>, vector<16xi32>,
        %broadcast_in_dim3A_137 = arith.constant true
        %broadcast_in_dim3A_138 = vector.broadcast %broadcast_in_dim3A_137 : i1 to vector<16xi1>
        %masked_cumsum3A = tpu.scan <sum>, %get3A_136 masked %broadcast_in_dim3A_138 : vector<16xi32>, vector<16xi1> -> vector<16xi32>
        %add3A_139 = vector.broadcast %while3A_133 : i32 to vector<16xi32>
        %add3A_140 = arith.addi %add3A_139, %masked_cumsum3A : vector<16xi32>
        %ge3A = vector.broadcast %while3A : i32 to vector<16xi32>
        %ge3A_141 = arith.cmpi sge, %add3A_140, %ge3A : vector<16xi32>
        %all_reduce_ffs3A = tpu.all_reduce %ge3A_141 {dim = 0 : i64, kind = #tpu.reduction_kind<find_first_set>} : vector<16xi1> -> vector<16xi32>
        %reduce_max3A = arith.constant true
        %reduce_max3A_142 = vector.broadcast %reduce_max3A : i1 to vector<16xi1>
        %reduce_max3A_143 = arith.constant -2147483648 : i32
        %reduce_max3A_144 = vector.broadcast %reduce_max3A_143 : i32 to vector<16xi32>
        %reduce_max3A_145 = arith.xori %all_reduce_ffs3A, %reduce_max3A_144 : vector<16xi32>
        %reduce_max3A_146 = tpu.scan <max>, %reduce_max3A_145 masked %reduce_max3A_142 : vector<16xi32>, vector<16xi1> -> vector<16xi32>
        %reduce_max3A_147 = arith.xori %reduce_max3A_146, %reduce_max3A_144 : vector<16xi32>
        %reduce_max3A_148 = vector.extract %reduce_max3A_147[15] : i32 from vector<16xi32>
        %lt3A = arith.constant 16 : i32
        %lt3A_149 = arith.cmpi slt, %reduce_max3A_148, %lt3A : i32
        %lt3A_150 = vector.broadcast %reduce_max3A_148 : i32 to vector<16xi32>
        %lt3A_151 = arith.cmpi slt, %iota3A, %lt3A_150 : vector<16xi32>
        %jit3A = arith.constant 0 : i32
        %broadcast_in_dim3A_152 = vector.broadcast %jit3A : i32 to vector<16xi32>
        %select_n3A = arith.select %lt3A_151, %get3A_136, %broadcast_in_dim3A_152 : vector<16xi1>, vector<16xi32>
        %reduce_sum3A = arith.constant true
        %reduce_sum3A_153 = vector.broadcast %reduce_sum3A : i1 to vector<16xi1>
        %reduce_sum3A_154 = tpu.scan <sum>, %select_n3A masked %reduce_sum3A_153 : vector<16xi32>, vector<16xi1> -> vector<16xi32>
        %reduce_sum3A_155 = vector.extract %reduce_sum3A_154[15] : i32 from vector<16xi32>
        %eq3A_156 = vector.broadcast %reduce_max3A_148 : i32 to vector<16xi32>
        %eq3A_157 = arith.cmpi eq, %iota3A, %eq3A_156 : vector<16xi32>
        %jit3A_158 = arith.constant 0 : i32
        %broadcast_in_dim3A_159 = vector.broadcast %jit3A_158 : i32 to vector<16xi32>
        %select_n3A_160 = arith.select %eq3A_157, %get3A_136, %broadcast_in_dim3A_159 : vector<16xi1>, vector<16xi32>
        %reduce_sum3A_161 = arith.constant true
        %reduce_sum3A_162 = vector.broadcast %reduce_sum3A_161 : i1 to vector<16xi1>
        %reduce_sum3A_163 = tpu.scan <sum>, %select_n3A_160 masked %reduce_sum3A_162 : vector<16xi32>, vector<16xi1> -> vector<16xi32>
        %reduce_sum3A_164 = vector.extract %reduce_sum3A_163[15] : i32 from vector<16xi32>
        %mul3A_165 = arith.constant 16 : i32
        %mul3A_166 = arith.muli %while3A_129, %mul3A_165 : i32
        %add3A_167 = arith.addi %mul3A_166, %reduce_max3A_148 : i32
        %select_n3A_168 = arith.select %lt3A_149, %add3A_167, %while3A_130 : i32
        %add3A_169 = arith.addi %while3A_133, %reduce_sum3A_155 : i32
        %select_n3A_170 = arith.select %lt3A_149, %add3A_169, %while3A_131 : i32
        %select_n3A_171 = arith.select %lt3A_149, %reduce_sum3A_164, %while3A_132 : i32
        %jit3A_172 = arith.constant 1 : i32
        %select_n3A_173 = arith.select %lt3A_149, %jit3A_172, %while3A_128 : i32
        %reduce_max3A_174 = arith.constant true
        %reduce_max3A_175 = vector.broadcast %reduce_max3A_174 : i1 to vector<16xi1>
        %reduce_max3A_176 = arith.constant -2147483648 : i32
        %reduce_max3A_177 = vector.broadcast %reduce_max3A_176 : i32 to vector<16xi32>
        %reduce_max3A_178 = arith.xori %masked_cumsum3A, %reduce_max3A_177 : vector<16xi32>
        %reduce_max3A_179 = tpu.scan <max>, %reduce_max3A_178 masked %reduce_max3A_175 : vector<16xi32>, vector<16xi1> -> vector<16xi32>
        %reduce_max3A_180 = arith.xori %reduce_max3A_179, %reduce_max3A_177 : vector<16xi32>
        %reduce_max3A_181 = vector.extract %reduce_max3A_180[15] : i32 from vector<16xi32>
        %add3A_182 = arith.addi %while3A_133, %reduce_max3A_181 : i32
        %add3A_183 = arith.constant 1 : i32
        %add3A_184 = arith.addi %while3A_129, %add3A_183 : i32
        scf.yield %select_n3A_173, %add3A_184, %select_n3A_168, %select_n3A_170, %select_n3A_171, %add3A_182 : i32, i32, i32, i32, i32, i32
      }
      %sub3A = arith.constant 127 : i32
      %sub3A_111 = arith.subi %sub3A, %while3A_110#2 : i32
      %shift_left3A = arith.constant 24 : i32
      %shift_left3A_112 = arith.shli %sub3A_111, %shift_left3A : i32
      %sub3A_113 = arith.constant 512 : i32
      %sub3A_114 = arith.subi %sub3A_113, %while3A_110#3 : i32
      %while3A_115 = arith.constant 1 : i32
      %while3A_116:4 = scf.while (%while3A_128 = %while3A_115, %while3A_129 = %shift_left3A_112, %while3A_130 = %sub3A_114, %while3A_131 = %while3A_110#4) : (i32, i32, i32, i32) -> (i32, i32, i32, i32) {
        %lt3A = arith.constant 4 : i32
        %lt3A_132 = arith.cmpi slt, %while3A_128, %lt3A : i32
        %ne3A = arith.cmpi ne, %while3A_131, %while3A_130 : i32
        %and3A = arith.andi %lt3A_132, %ne3A : i1
        scf.condition(%and3A) %while3A_128, %while3A_129, %while3A_130, %while3A_131 : i32, i32, i32, i32
      } do {
      ^bb0(%while3A_128: i32, %while3A_129: i32, %while3A_130: i32, %while3A_131: i32):
        %mul3A_132 = arith.constant 8 : i32
        %mul3A_133 = arith.muli %mul3A_132, %while3A_128 : i32
        %sub3A_134 = arith.constant 24 : i32
        %sub3A_135 = arith.subi %sub3A_134, %mul3A_133 : i32
        %add3A_136 = arith.constant 8 : i32
        %add3A_137 = arith.addi %sub3A_135, %add3A_136 : i32
        %shift_left3A_138 = arith.constant -1 : i32
        %shift_left3A_139 = arith.shli %shift_left3A_138, %add3A_137 : i32
        %broadcast_in_dim3A_140 = arith.constant 0 : i32
        %broadcast_in_dim3A_141 = vector.broadcast %broadcast_in_dim3A_140 : i32 to vector<16xi32>
        %swap3A_142 = arith.constant 0 : index
        %swap3A_143 = tpu.vector_load %arg6[%swap3A_142] {strides = array<i32>} : memref<256xi32, #tpu.memory_space<vmem>>, vector<16xi32>,
        tpu.vector_store %arg6[%swap3A_142], %broadcast_in_dim3A_141 {strides = array<i32>} : memref<256xi32, #tpu.memory_space<vmem>>, vector<16xi32>,
        %swap3A_144 = arith.constant 16 : index
        %swap3A_145 = tpu.vector_load %arg6[%swap3A_144] {strides = array<i32>} : memref<256xi32, #tpu.memory_space<vmem>>, vector<16xi32>,
        tpu.vector_store %arg6[%swap3A_144], %broadcast_in_dim3A_141 {strides = array<i32>} : memref<256xi32, #tpu.memory_space<vmem>>, vector<16xi32>,
        %swap3A_146 = arith.constant 32 : index
        %swap3A_147 = tpu.vector_load %arg6[%swap3A_146] {strides = array<i32>} : memref<256xi32, #tpu.memory_space<vmem>>, vector<16xi32>,
        tpu.vector_store %arg6[%swap3A_146], %broadcast_in_dim3A_141 {strides = array<i32>} : memref<256xi32, #tpu.memory_space<vmem>>, vector<16xi32>,
        %swap3A_148 = arith.constant 48 : index
        %swap3A_149 = tpu.vector_load %arg6[%swap3A_148] {strides = array<i32>} : memref<256xi32, #tpu.memory_space<vmem>>, vector<16xi32>,
        tpu.vector_store %arg6[%swap3A_148], %broadcast_in_dim3A_141 {strides = array<i32>} : memref<256xi32, #tpu.memory_space<vmem>>, vector<16xi32>,
        %swap3A_150 = arith.constant 64 : index
        %swap3A_151 = tpu.vector_load %arg6[%swap3A_150] {strides = array<i32>} : memref<256xi32, #tpu.memory_space<vmem>>, vector<16xi32>,
        tpu.vector_store %arg6[%swap3A_150], %broadcast_in_dim3A_141 {strides = array<i32>} : memref<256xi32, #tpu.memory_space<vmem>>, vector<16xi32>,
        %swap3A_152 = arith.constant 80 : index
        %swap3A_153 = tpu.vector_load %arg6[%swap3A_152] {strides = array<i32>} : memref<256xi32, #tpu.memory_space<vmem>>, vector<16xi32>,
        tpu.vector_store %arg6[%swap3A_152], %broadcast_in_dim3A_141 {strides = array<i32>} : memref<256xi32, #tpu.memory_space<vmem>>, vector<16xi32>,
        %swap3A_154 = arith.constant 96 : index
        %swap3A_155 = tpu.vector_load %arg6[%swap3A_154] {strides = array<i32>} : memref<256xi32, #tpu.memory_space<vmem>>, vector<16xi32>,
        tpu.vector_store %arg6[%swap3A_154], %broadcast_in_dim3A_141 {strides = array<i32>} : memref<256xi32, #tpu.memory_space<vmem>>, vector<16xi32>,
        %swap3A_156 = arith.constant 112 : index
        %swap3A_157 = tpu.vector_load %arg6[%swap3A_156] {strides = array<i32>} : memref<256xi32, #tpu.memory_space<vmem>>, vector<16xi32>,
        tpu.vector_store %arg6[%swap3A_156], %broadcast_in_dim3A_141 {strides = array<i32>} : memref<256xi32, #tpu.memory_space<vmem>>, vector<16xi32>,
        %swap3A_158 = arith.constant 128 : index
        %swap3A_159 = tpu.vector_load %arg6[%swap3A_158] {strides = array<i32>} : memref<256xi32, #tpu.memory_space<vmem>>, vector<16xi32>,
        tpu.vector_store %arg6[%swap3A_158], %broadcast_in_dim3A_141 {strides = array<i32>} : memref<256xi32, #tpu.memory_space<vmem>>, vector<16xi32>,
        %swap3A_160 = arith.constant 144 : index
        %swap3A_161 = tpu.vector_load %arg6[%swap3A_160] {strides = array<i32>} : memref<256xi32, #tpu.memory_space<vmem>>, vector<16xi32>,
        tpu.vector_store %arg6[%swap3A_160], %broadcast_in_dim3A_141 {strides = array<i32>} : memref<256xi32, #tpu.memory_space<vmem>>, vector<16xi32>,
        %swap3A_162 = arith.constant 160 : index
        %swap3A_163 = tpu.vector_load %arg6[%swap3A_162] {strides = array<i32>} : memref<256xi32, #tpu.memory_space<vmem>>, vector<16xi32>,
        tpu.vector_store %arg6[%swap3A_162], %broadcast_in_dim3A_141 {strides = array<i32>} : memref<256xi32, #tpu.memory_space<vmem>>, vector<16xi32>,
        %swap3A_164 = arith.constant 176 : index
        %swap3A_165 = tpu.vector_load %arg6[%swap3A_164] {strides = array<i32>} : memref<256xi32, #tpu.memory_space<vmem>>, vector<16xi32>,
        tpu.vector_store %arg6[%swap3A_164], %broadcast_in_dim3A_141 {strides = array<i32>} : memref<256xi32, #tpu.memory_space<vmem>>, vector<16xi32>,
        %swap3A_166 = arith.constant 192 : index
        %swap3A_167 = tpu.vector_load %arg6[%swap3A_166] {strides = array<i32>} : memref<256xi32, #tpu.memory_space<vmem>>, vector<16xi32>,
        tpu.vector_store %arg6[%swap3A_166], %broadcast_in_dim3A_141 {strides = array<i32>} : memref<256xi32, #tpu.memory_space<vmem>>, vector<16xi32>,
        %swap3A_168 = arith.constant 208 : index
        %swap3A_169 = tpu.vector_load %arg6[%swap3A_168] {strides = array<i32>} : memref<256xi32, #tpu.memory_space<vmem>>, vector<16xi32>,
        tpu.vector_store %arg6[%swap3A_168], %broadcast_in_dim3A_141 {strides = array<i32>} : memref<256xi32, #tpu.memory_space<vmem>>, vector<16xi32>,
        %swap3A_170 = arith.constant 224 : index
        %swap3A_171 = tpu.vector_load %arg6[%swap3A_170] {strides = array<i32>} : memref<256xi32, #tpu.memory_space<vmem>>, vector<16xi32>,
        tpu.vector_store %arg6[%swap3A_170], %broadcast_in_dim3A_141 {strides = array<i32>} : memref<256xi32, #tpu.memory_space<vmem>>, vector<16xi32>,
        %swap3A_172 = arith.constant 240 : index
        %swap3A_173 = tpu.vector_load %arg6[%swap3A_172] {strides = array<i32>} : memref<256xi32, #tpu.memory_space<vmem>>, vector<16xi32>,
        tpu.vector_store %arg6[%swap3A_172], %broadcast_in_dim3A_141 {strides = array<i32>} : memref<256xi32, #tpu.memory_space<vmem>>, vector<16xi32>,
        %parallel_loop3A_174 = arith.constant 0 : i32
        %parallel_loop3A_175 = arith.constant 512 : i32
        %parallel_loop3A_176 = arith.constant 1 : i32
        scf.for %parallel_loop3A_191 = %parallel_loop3A_174 to %parallel_loop3A_175 step %parallel_loop3A_176  : i32 {
          %parallel_loop3A_192 = arith.constant 16 : i32
          %parallel_loop3A_193 = arith.muli %parallel_loop3A_191, %parallel_loop3A_192 : i32
          %parallel_loop3A_194 = arith.addi %mul3A_60, %parallel_loop3A_193 : i32
          %parallel_loop3A_195 = arith.index_cast %parallel_loop3A_194 : i32 to index
          %parallel_loop3A_196 = tpu.vector_load %arg5[%parallel_loop3A_195] {strides = array<i32>} : memref<16384xi32, #tpu.memory_space<vmem>>, vector<16xi32>,
          %parallel_loop3A_197 = vector.broadcast %shift_left3A_139 : i32 to vector<16xi32>
          %parallel_loop3A_198 = arith.andi %parallel_loop3A_196, %parallel_loop3A_197 : vector<16xi32>
          %parallel_loop3A_199 = vector.broadcast %while3A_129 : i32 to vector<16xi32>
          %parallel_loop3A_200 = arith.cmpi eq, %parallel_loop3A_198, %parallel_loop3A_199 : vector<16xi32>
          %parallel_loop3A_201 = vector.broadcast %sub3A_135 : i32 to vector<16xi32>
          %parallel_loop3A_202 = arith.shrsi %parallel_loop3A_196, %parallel_loop3A_201 : vector<16xi32>
          %parallel_loop3A_203 = arith.constant 255 : i32
          %parallel_loop3A_204 = vector.broadcast %parallel_loop3A_203 : i32 to vector<16xi32>
          %parallel_loop3A_205 = arith.andi %parallel_loop3A_202, %parallel_loop3A_204 : vector<16xi32>
          %parallel_loop3A_206 = arith.constant 255 : i32
          %parallel_loop3A_207 = vector.broadcast %parallel_loop3A_206 : i32 to vector<16xi32>
          %parallel_loop3A_208 = arith.subi %parallel_loop3A_207, %parallel_loop3A_205 : vector<16xi32>
          tpu.vector_store_idx %arg6[%parallel_loop3A_208], %broadcast_in_dim3A_26 masked %parallel_loop3A_200 {add = true} : memref<256xi32, #tpu.memory_space<vmem>>[vector<16xi32>], vector<16xi32>, vector<16xi1>
        } {sc.loop_unroll_factor = 16 : i64, sc.parallel_access}
        %iota3A_177 = tpu.iota {dimensions = array<i32: 0>} : vector<16xi32>
        %while3A_178 = arith.constant 0 : i32
        %while3A_179 = arith.constant 0 : i32
        %while3A_180 = arith.constant 0 : i32
        %while3A_181 = arith.constant 0 : i32
        %while3A_182 = arith.constant 0 : i32
        %while3A_183 = arith.constant 0 : i32
        %while3A_184:6 = scf.while (%while3A_191 = %while3A_178, %while3A_192 = %while3A_179, %while3A_193 = %while3A_180, %while3A_194 = %while3A_181, %while3A_195 = %while3A_182, %while3A_196 = %while3A_183) : (i32, i32, i32, i32, i32, i32) -> (i32, i32, i32, i32, i32, i32) {
          %eq3A_197 = arith.constant 0 : i32
          %eq3A_198 = arith.cmpi eq, %while3A_191, %eq3A_197 : i32
          %lt3A = arith.constant 16 : i32
          %lt3A_199 = arith.cmpi slt, %while3A_192, %lt3A : i32
          %and3A = arith.andi %eq3A_198, %lt3A_199 : i1
          scf.condition(%and3A) %while3A_191, %while3A_192, %while3A_193, %while3A_194, %while3A_195, %while3A_196 : i32, i32, i32, i32, i32, i32
        } do {
        ^bb0(%while3A_191: i32, %while3A_192: i32, %while3A_193: i32, %while3A_194: i32, %while3A_195: i32, %while3A_196: i32):
          %mul3A_197 = arith.constant 16 : i32
          %mul3A_198 = arith.muli %while3A_192, %mul3A_197 : i32
          %get3A = arith.index_cast %mul3A_198 : i32 to index
          %get3A_199 = tpu.vector_load %arg6[%get3A] {strides = array<i32>} : memref<256xi32, #tpu.memory_space<vmem>>, vector<16xi32>,
          %broadcast_in_dim3A_200 = arith.constant true
          %broadcast_in_dim3A_201 = vector.broadcast %broadcast_in_dim3A_200 : i1 to vector<16xi1>
          %masked_cumsum3A = tpu.scan <sum>, %get3A_199 masked %broadcast_in_dim3A_201 : vector<16xi32>, vector<16xi1> -> vector<16xi32>
          %add3A_202 = vector.broadcast %while3A_196 : i32 to vector<16xi32>
          %add3A_203 = arith.addi %add3A_202, %masked_cumsum3A : vector<16xi32>
          %ge3A = vector.broadcast %while3A_130 : i32 to vector<16xi32>
          %ge3A_204 = arith.cmpi sge, %add3A_203, %ge3A : vector<16xi32>
          %all_reduce_ffs3A = tpu.all_reduce %ge3A_204 {dim = 0 : i64, kind = #tpu.reduction_kind<find_first_set>} : vector<16xi1> -> vector<16xi32>
          %reduce_max3A = arith.constant true
          %reduce_max3A_205 = vector.broadcast %reduce_max3A : i1 to vector<16xi1>
          %reduce_max3A_206 = arith.constant -2147483648 : i32
          %reduce_max3A_207 = vector.broadcast %reduce_max3A_206 : i32 to vector<16xi32>
          %reduce_max3A_208 = arith.xori %all_reduce_ffs3A, %reduce_max3A_207 : vector<16xi32>
          %reduce_max3A_209 = tpu.scan <max>, %reduce_max3A_208 masked %reduce_max3A_205 : vector<16xi32>, vector<16xi1> -> vector<16xi32>
          %reduce_max3A_210 = arith.xori %reduce_max3A_209, %reduce_max3A_207 : vector<16xi32>
          %reduce_max3A_211 = vector.extract %reduce_max3A_210[15] : i32 from vector<16xi32>
          %lt3A = arith.constant 16 : i32
          %lt3A_212 = arith.cmpi slt, %reduce_max3A_211, %lt3A : i32
          %lt3A_213 = vector.broadcast %reduce_max3A_211 : i32 to vector<16xi32>
          %lt3A_214 = arith.cmpi slt, %iota3A_177, %lt3A_213 : vector<16xi32>
          %jit3A = arith.constant 0 : i32
          %broadcast_in_dim3A_215 = vector.broadcast %jit3A : i32 to vector<16xi32>
          %select_n3A = arith.select %lt3A_214, %get3A_199, %broadcast_in_dim3A_215 : vector<16xi1>, vector<16xi32>
          %reduce_sum3A = arith.constant true
          %reduce_sum3A_216 = vector.broadcast %reduce_sum3A : i1 to vector<16xi1>
          %reduce_sum3A_217 = tpu.scan <sum>, %select_n3A masked %reduce_sum3A_216 : vector<16xi32>, vector<16xi1> -> vector<16xi32>
          %reduce_sum3A_218 = vector.extract %reduce_sum3A_217[15] : i32 from vector<16xi32>
          %eq3A_219 = vector.broadcast %reduce_max3A_211 : i32 to vector<16xi32>
          %eq3A_220 = arith.cmpi eq, %iota3A_177, %eq3A_219 : vector<16xi32>
          %jit3A_221 = arith.constant 0 : i32
          %broadcast_in_dim3A_222 = vector.broadcast %jit3A_221 : i32 to vector<16xi32>
          %select_n3A_223 = arith.select %eq3A_220, %get3A_199, %broadcast_in_dim3A_222 : vector<16xi1>, vector<16xi32>
          %reduce_sum3A_224 = arith.constant true
          %reduce_sum3A_225 = vector.broadcast %reduce_sum3A_224 : i1 to vector<16xi1>
          %reduce_sum3A_226 = tpu.scan <sum>, %select_n3A_223 masked %reduce_sum3A_225 : vector<16xi32>, vector<16xi1> -> vector<16xi32>
          %reduce_sum3A_227 = vector.extract %reduce_sum3A_226[15] : i32 from vector<16xi32>
          %mul3A_228 = arith.constant 16 : i32
          %mul3A_229 = arith.muli %while3A_192, %mul3A_228 : i32
          %add3A_230 = arith.addi %mul3A_229, %reduce_max3A_211 : i32
          %select_n3A_231 = arith.select %lt3A_212, %add3A_230, %while3A_193 : i32
          %add3A_232 = arith.addi %while3A_196, %reduce_sum3A_218 : i32
          %select_n3A_233 = arith.select %lt3A_212, %add3A_232, %while3A_194 : i32
          %select_n3A_234 = arith.select %lt3A_212, %reduce_sum3A_227, %while3A_195 : i32
          %jit3A_235 = arith.constant 1 : i32
          %select_n3A_236 = arith.select %lt3A_212, %jit3A_235, %while3A_191 : i32
          %reduce_max3A_237 = arith.constant true
          %reduce_max3A_238 = vector.broadcast %reduce_max3A_237 : i1 to vector<16xi1>
          %reduce_max3A_239 = arith.constant -2147483648 : i32
          %reduce_max3A_240 = vector.broadcast %reduce_max3A_239 : i32 to vector<16xi32>
          %reduce_max3A_241 = arith.xori %masked_cumsum3A, %reduce_max3A_240 : vector<16xi32>
          %reduce_max3A_242 = tpu.scan <max>, %reduce_max3A_241 masked %reduce_max3A_238 : vector<16xi32>, vector<16xi1> -> vector<16xi32>
          %reduce_max3A_243 = arith.xori %reduce_max3A_242, %reduce_max3A_240 : vector<16xi32>
          %reduce_max3A_244 = vector.extract %reduce_max3A_243[15] : i32 from vector<16xi32>
          %add3A_245 = arith.addi %while3A_196, %reduce_max3A_244 : i32
          %add3A_246 = arith.constant 1 : i32
          %add3A_247 = arith.addi %while3A_192, %add3A_246 : i32
          scf.yield %select_n3A_236, %add3A_247, %select_n3A_231, %select_n3A_233, %select_n3A_234, %add3A_245 : i32, i32, i32, i32, i32, i32
        }
        %sub3A_185 = arith.subi %while3A_130, %while3A_184#3 : i32
        %sub3A_186 = arith.constant 255 : i32
        %sub3A_187 = arith.subi %sub3A_186, %while3A_184#2 : i32
        %shift_left3A_188 = arith.shli %sub3A_187, %sub3A_135 : i32
        %or3A = arith.ori %while3A_129, %shift_left3A_188 : i32
        %add3A_189 = arith.constant 1 : i32
        %add3A_190 = arith.addi %while3A_128, %add3A_189 : i32
        scf.yield %add3A_190, %or3A, %sub3A_185, %while3A_184#4 : i32, i32, i32, i32
      }
      %eq3A = arith.cmpi eq, %while3A_116#3, %while3A_116#2 : i32
      %convert_element_type3A = arith.extui %eq3A : i1 to i32
      %cond3A = arith.constant 0 : i32
      %cond3A_117 = arith.cmpi ne, %convert_element_type3A, %cond3A : i32
      scf.if %cond3A_117 {
        %shift_right_arithmetic3A = arith.constant 31 : i32
        %shift_right_arithmetic3A_128 = arith.shrsi %while3A_116#1, %shift_right_arithmetic3A : i32
        %and3A = arith.constant 2147483647 : i32
        %and3A_129 = arith.andi %shift_right_arithmetic3A_128, %and3A : i32
        %xor3A = arith.xori %while3A_116#1, %and3A_129 : i32
        %broadcast_in_dim3A_130 = vector.broadcast %xor3A : i32 to vector<16xi32>
        %bitcast_convert_type3A = tpu.bitcast %broadcast_in_dim3A_130 : vector<16xi32> -> vector<16xf32>
        %parallel_loop3A_131 = arith.constant 0 : i32
        %parallel_loop3A_132 = arith.constant 512 : i32
        %parallel_loop3A_133 = arith.constant 1 : i32
        scf.for %parallel_loop3A_134 = %parallel_loop3A_131 to %parallel_loop3A_132 step %parallel_loop3A_133  : i32 {
          %parallel_loop3A_135 = arith.constant 16 : i32
          %parallel_loop3A_136 = arith.muli %parallel_loop3A_134, %parallel_loop3A_135 : i32
          %parallel_loop3A_137 = arith.addi %mul3A_60, %parallel_loop3A_136 : i32
          %parallel_loop3A_138 = arith.index_cast %parallel_loop3A_137 : i32 to index
          %parallel_loop3A_139 = tpu.vector_load %arg4[%parallel_loop3A_138] {strides = array<i32>} : memref<16384xf32, #tpu.memory_space<vmem>>, vector<16xf32>,
          %parallel_loop3A_140 = arith.cmpf oge, %parallel_loop3A_139, %bitcast_convert_type3A : vector<16xf32>
          %parallel_loop3A_141 = vector.broadcast %scan3A : f32 to vector<16xf32>
          %parallel_loop3A_142 = arith.select %parallel_loop3A_140, %parallel_loop3A_139, %parallel_loop3A_141 : vector<16xi1>, vector<16xf32>
          %parallel_loop3A_143 = arith.index_cast %parallel_loop3A_137 : i32 to index
          %parallel_loop3A_144 = tpu.vector_load %arg4[%parallel_loop3A_143] {strides = array<i32>} : memref<16384xf32, #tpu.memory_space<vmem>>, vector<16xf32>,
          tpu.vector_store %arg4[%parallel_loop3A_143], %parallel_loop3A_142 {strides = array<i32>} : memref<16384xf32, #tpu.memory_space<vmem>>, vector<16xf32>,
        } {sc.loop_unroll_factor = 16 : i64, sc.parallel_access}
      } else {
        %scan3A_128 = arith.constant 0 : i32
        %scan3A_129 = arith.constant 0 : i32
        %scan3A_130 = arith.constant 32 : i32
        %scan3A_131 = arith.addi %scan3A_129, %scan3A_130 : i32
        %scan3A_132 = arith.constant 1 : i32
        %scan3A_133 = scf.for %scan3A_135 = %scan3A_129 to %scan3A_131 step %scan3A_132 iter_args(%scan3A_136 = %scan3A_128) -> (i32)  : i32 {
          %mul3A_137 = arith.constant 16 : i32
          %mul3A_138 = arith.muli %scan3A_135, %mul3A_137 : i32
          %add3A_139 = arith.constant 0 : i32
          %add3A_140 = arith.addi %mul3A_138, %add3A_139 : i32
          %mul3A_141 = arith.constant 16 : i32
          %mul3A_142 = arith.muli %add3A_140, %mul3A_141 : i32
          %add3A_143 = arith.addi %mul3A_60, %mul3A_142 : i32
          %get3A = arith.index_cast %add3A_143 : i32 to index
          %get3A_144 = tpu.vector_load %arg5[%get3A] {strides = array<i32>} : memref<16384xi32, #tpu.memory_space<vmem>>, vector<16xi32>,
          %get3A_145 = arith.index_cast %add3A_143 : i32 to index
          %get3A_146 = tpu.vector_load %arg4[%get3A_145] {strides = array<i32>} : memref<16384xf32, #tpu.memory_space<vmem>>, vector<16xf32>,
          %eq3A_147 = vector.broadcast %while3A_116#1 : i32 to vector<16xi32>
          %eq3A_148 = arith.cmpi eq, %get3A_144, %eq3A_147 : vector<16xi32>
          %convert_element_type3A_149 = arith.extui %eq3A_148 : vector<16xi1> to vector<16xi32>
          %broadcast_in_dim3A_150 = arith.constant true
          %broadcast_in_dim3A_151 = vector.broadcast %broadcast_in_dim3A_150 : i1 to vector<16xi1>
          %masked_cumsum3A = tpu.scan <sum>, %convert_element_type3A_149 masked %broadcast_in_dim3A_151 : vector<16xi32>, vector<16xi1> -> vector<16xi32>
          %gt3A = vector.broadcast %while3A_116#1 : i32 to vector<16xi32>
          %gt3A_152 = arith.cmpi sgt, %get3A_144, %gt3A : vector<16xi32>
          %add3A_153 = vector.broadcast %scan3A_136 : i32 to vector<16xi32>
          %add3A_154 = arith.addi %add3A_153, %masked_cumsum3A : vector<16xi32>
          %le3A = vector.broadcast %while3A_116#2 : i32 to vector<16xi32>
          %le3A_155 = arith.cmpi sle, %add3A_154, %le3A : vector<16xi32>
          %and3A = arith.andi %eq3A_148, %le3A_155 : vector<16xi1>
          %or3A = arith.ori %gt3A_152, %and3A : vector<16xi1>
          %broadcast_in_dim3A_156 = vector.broadcast %scan3A : f32 to vector<16xf32>
          %select_n3A = arith.select %or3A, %get3A_146, %broadcast_in_dim3A_156 : vector<16xi1>, vector<16xf32>
          %swap3A_157 = arith.index_cast %add3A_143 : i32 to index
          %swap3A_158 = tpu.vector_load %arg4[%swap3A_157] {strides = array<i32>} : memref<16384xf32, #tpu.memory_space<vmem>>, vector<16xf32>,
          tpu.vector_store %arg4[%swap3A_157], %select_n3A {strides = array<i32>} : memref<16384xf32, #tpu.memory_space<vmem>>, vector<16xf32>,
          %reduce_max3A = arith.constant true
          %reduce_max3A_159 = vector.broadcast %reduce_max3A : i1 to vector<16xi1>
          %reduce_max3A_160 = arith.constant -2147483648 : i32
          %reduce_max3A_161 = vector.broadcast %reduce_max3A_160 : i32 to vector<16xi32>
          %reduce_max3A_162 = arith.xori %masked_cumsum3A, %reduce_max3A_161 : vector<16xi32>
          %reduce_max3A_163 = tpu.scan <max>, %reduce_max3A_162 masked %reduce_max3A_159 : vector<16xi32>, vector<16xi1> -> vector<16xi32>
          %reduce_max3A_164 = arith.xori %reduce_max3A_163, %reduce_max3A_161 : vector<16xi32>
          %reduce_max3A_165 = vector.extract %reduce_max3A_164[15] : i32 from vector<16xi32>
          %add3A_166 = arith.addi %scan3A_136, %reduce_max3A_165 : i32
          %mul3A_167 = arith.constant 16 : i32
          %mul3A_168 = arith.muli %scan3A_135, %mul3A_167 : i32
          %add3A_169 = arith.constant 1 : i32
          %add3A_170 = arith.addi %mul3A_168, %add3A_169 : i32
          %mul3A_171 = arith.constant 16 : i32
          %mul3A_172 = arith.muli %add3A_170, %mul3A_171 : i32
          %add3A_173 = arith.addi %mul3A_60, %mul3A_172 : i32
          %get3A_174 = arith.index_cast %add3A_173 : i32 to index
          %get3A_175 = tpu.vector_load %arg5[%get3A_174] {strides = array<i32>} : memref<16384xi32, #tpu.memory_space<vmem>>, vector<16xi32>,
          %get3A_176 = arith.index_cast %add3A_173 : i32 to index
          %get3A_177 = tpu.vector_load %arg4[%get3A_176] {strides = array<i32>} : memref<16384xf32, #tpu.memory_space<vmem>>, vector<16xf32>,
          %eq3A_178 = vector.broadcast %while3A_116#1 : i32 to vector<16xi32>
          %eq3A_179 = arith.cmpi eq, %get3A_175, %eq3A_178 : vector<16xi32>
          %convert_element_type3A_180 = arith.extui %eq3A_179 : vector<16xi1> to vector<16xi32>
          %broadcast_in_dim3A_181 = arith.constant true
          %broadcast_in_dim3A_182 = vector.broadcast %broadcast_in_dim3A_181 : i1 to vector<16xi1>
          %masked_cumsum3A_183 = tpu.scan <sum>, %convert_element_type3A_180 masked %broadcast_in_dim3A_182 : vector<16xi32>, vector<16xi1> -> vector<16xi32>
          %gt3A_184 = vector.broadcast %while3A_116#1 : i32 to vector<16xi32>
          %gt3A_185 = arith.cmpi sgt, %get3A_175, %gt3A_184 : vector<16xi32>
          %add3A_186 = vector.broadcast %add3A_166 : i32 to vector<16xi32>
          %add3A_187 = arith.addi %add3A_186, %masked_cumsum3A_183 : vector<16xi32>
          %le3A_188 = vector.broadcast %while3A_116#2 : i32 to vector<16xi32>
          %le3A_189 = arith.cmpi sle, %add3A_187, %le3A_188 : vector<16xi32>
          %and3A_190 = arith.andi %eq3A_179, %le3A_189 : vector<16xi1>
          %or3A_191 = arith.ori %gt3A_185, %and3A_190 : vector<16xi1>
          %broadcast_in_dim3A_192 = vector.broadcast %scan3A : f32 to vector<16xf32>
          %select_n3A_193 = arith.select %or3A_191, %get3A_177, %broadcast_in_dim3A_192 : vector<16xi1>, vector<16xf32>
          %swap3A_194 = arith.index_cast %add3A_173 : i32 to index
          %swap3A_195 = tpu.vector_load %arg4[%swap3A_194] {strides = array<i32>} : memref<16384xf32, #tpu.memory_space<vmem>>, vector<16xf32>,
          tpu.vector_store %arg4[%swap3A_194], %select_n3A_193 {strides = array<i32>} : memref<16384xf32, #tpu.memory_space<vmem>>, vector<16xf32>,
          %reduce_max3A_196 = arith.constant true
          %reduce_max3A_197 = vector.broadcast %reduce_max3A_196 : i1 to vector<16xi1>
          %reduce_max3A_198 = arith.constant -2147483648 : i32
          %reduce_max3A_199 = vector.broadcast %reduce_max3A_198 : i32 to vector<16xi32>
          %reduce_max3A_200 = arith.xori %masked_cumsum3A_183, %reduce_max3A_199 : vector<16xi32>
          %reduce_max3A_201 = tpu.scan <max>, %reduce_max3A_200 masked %reduce_max3A_197 : vector<16xi32>, vector<16xi1> -> vector<16xi32>
          %reduce_max3A_202 = arith.xori %reduce_max3A_201, %reduce_max3A_199 : vector<16xi32>
          %reduce_max3A_203 = vector.extract %reduce_max3A_202[15] : i32 from vector<16xi32>
          %add3A_204 = arith.addi %add3A_166, %reduce_max3A_203 : i32
          %mul3A_205 = arith.constant 16 : i32
          %mul3A_206 = arith.muli %scan3A_135, %mul3A_205 : i32
          %add3A_207 = arith.constant 2 : i32
          %add3A_208 = arith.addi %mul3A_206, %add3A_207 : i32
          %mul3A_209 = arith.constant 16 : i32
          %mul3A_210 = arith.muli %add3A_208, %mul3A_209 : i32
          %add3A_211 = arith.addi %mul3A_60, %mul3A_210 : i32
          %get3A_212 = arith.index_cast %add3A_211 : i32 to index
          %get3A_213 = tpu.vector_load %arg5[%get3A_212] {strides = array<i32>} : memref<16384xi32, #tpu.memory_space<vmem>>, vector<16xi32>,
          %get3A_214 = arith.index_cast %add3A_211 : i32 to index
          %get3A_215 = tpu.vector_load %arg4[%get3A_214] {strides = array<i32>} : memref<16384xf32, #tpu.memory_space<vmem>>, vector<16xf32>,
          %eq3A_216 = vector.broadcast %while3A_116#1 : i32 to vector<16xi32>
          %eq3A_217 = arith.cmpi eq, %get3A_213, %eq3A_216 : vector<16xi32>
          %convert_element_type3A_218 = arith.extui %eq3A_217 : vector<16xi1> to vector<16xi32>
          %broadcast_in_dim3A_219 = arith.constant true
          %broadcast_in_dim3A_220 = vector.broadcast %broadcast_in_dim3A_219 : i1 to vector<16xi1>
          %masked_cumsum3A_221 = tpu.scan <sum>, %convert_element_type3A_218 masked %broadcast_in_dim3A_220 : vector<16xi32>, vector<16xi1> -> vector<16xi32>
          %gt3A_222 = vector.broadcast %while3A_116#1 : i32 to vector<16xi32>
          %gt3A_223 = arith.cmpi sgt, %get3A_213, %gt3A_222 : vector<16xi32>
          %add3A_224 = vector.broadcast %add3A_204 : i32 to vector<16xi32>
          %add3A_225 = arith.addi %add3A_224, %masked_cumsum3A_221 : vector<16xi32>
          %le3A_226 = vector.broadcast %while3A_116#2 : i32 to vector<16xi32>
          %le3A_227 = arith.cmpi sle, %add3A_225, %le3A_226 : vector<16xi32>
          %and3A_228 = arith.andi %eq3A_217, %le3A_227 : vector<16xi1>
          %or3A_229 = arith.ori %gt3A_223, %and3A_228 : vector<16xi1>
          %broadcast_in_dim3A_230 = vector.broadcast %scan3A : f32 to vector<16xf32>
          %select_n3A_231 = arith.select %or3A_229, %get3A_215, %broadcast_in_dim3A_230 : vector<16xi1>, vector<16xf32>
          %swap3A_232 = arith.index_cast %add3A_211 : i32 to index
          %swap3A_233 = tpu.vector_load %arg4[%swap3A_232] {strides = array<i32>} : memref<16384xf32, #tpu.memory_space<vmem>>, vector<16xf32>,
          tpu.vector_store %arg4[%swap3A_232], %select_n3A_231 {strides = array<i32>} : memref<16384xf32, #tpu.memory_space<vmem>>, vector<16xf32>,
          %reduce_max3A_234 = arith.constant true
          %reduce_max3A_235 = vector.broadcast %reduce_max3A_234 : i1 to vector<16xi1>
          %reduce_max3A_236 = arith.constant -2147483648 : i32
          %reduce_max3A_237 = vector.broadcast %reduce_max3A_236 : i32 to vector<16xi32>
          %reduce_max3A_238 = arith.xori %masked_cumsum3A_221, %reduce_max3A_237 : vector<16xi32>
          %reduce_max3A_239 = tpu.scan <max>, %reduce_max3A_238 masked %reduce_max3A_235 : vector<16xi32>, vector<16xi1> -> vector<16xi32>
          %reduce_max3A_240 = arith.xori %reduce_max3A_239, %reduce_max3A_237 : vector<16xi32>
          %reduce_max3A_241 = vector.extract %reduce_max3A_240[15] : i32 from vector<16xi32>
          %add3A_242 = arith.addi %add3A_204, %reduce_max3A_241 : i32
          %mul3A_243 = arith.constant 16 : i32
          %mul3A_244 = arith.muli %scan3A_135, %mul3A_243 : i32
          %add3A_245 = arith.constant 3 : i32
          %add3A_246 = arith.addi %mul3A_244, %add3A_245 : i32
          %mul3A_247 = arith.constant 16 : i32
          %mul3A_248 = arith.muli %add3A_246, %mul3A_247 : i32
          %add3A_249 = arith.addi %mul3A_60, %mul3A_248 : i32
          %get3A_250 = arith.index_cast %add3A_249 : i32 to index
          %get3A_251 = tpu.vector_load %arg5[%get3A_250] {strides = array<i32>} : memref<16384xi32, #tpu.memory_space<vmem>>, vector<16xi32>,
          %get3A_252 = arith.index_cast %add3A_249 : i32 to index
          %get3A_253 = tpu.vector_load %arg4[%get3A_252] {strides = array<i32>} : memref<16384xf32, #tpu.memory_space<vmem>>, vector<16xf32>,
          %eq3A_254 = vector.broadcast %while3A_116#1 : i32 to vector<16xi32>
          %eq3A_255 = arith.cmpi eq, %get3A_251, %eq3A_254 : vector<16xi32>
          %convert_element_type3A_256 = arith.extui %eq3A_255 : vector<16xi1> to vector<16xi32>
          %broadcast_in_dim3A_257 = arith.constant true
          %broadcast_in_dim3A_258 = vector.broadcast %broadcast_in_dim3A_257 : i1 to vector<16xi1>
          %masked_cumsum3A_259 = tpu.scan <sum>, %convert_element_type3A_256 masked %broadcast_in_dim3A_258 : vector<16xi32>, vector<16xi1> -> vector<16xi32>
          %gt3A_260 = vector.broadcast %while3A_116#1 : i32 to vector<16xi32>
          %gt3A_261 = arith.cmpi sgt, %get3A_251, %gt3A_260 : vector<16xi32>
          %add3A_262 = vector.broadcast %add3A_242 : i32 to vector<16xi32>
          %add3A_263 = arith.addi %add3A_262, %masked_cumsum3A_259 : vector<16xi32>
          %le3A_264 = vector.broadcast %while3A_116#2 : i32 to vector<16xi32>
          %le3A_265 = arith.cmpi sle, %add3A_263, %le3A_264 : vector<16xi32>
          %and3A_266 = arith.andi %eq3A_255, %le3A_265 : vector<16xi1>
          %or3A_267 = arith.ori %gt3A_261, %and3A_266 : vector<16xi1>
          %broadcast_in_dim3A_268 = vector.broadcast %scan3A : f32 to vector<16xf32>
          %select_n3A_269 = arith.select %or3A_267, %get3A_253, %broadcast_in_dim3A_268 : vector<16xi1>, vector<16xf32>
          %swap3A_270 = arith.index_cast %add3A_249 : i32 to index
          %swap3A_271 = tpu.vector_load %arg4[%swap3A_270] {strides = array<i32>} : memref<16384xf32, #tpu.memory_space<vmem>>, vector<16xf32>,
          tpu.vector_store %arg4[%swap3A_270], %select_n3A_269 {strides = array<i32>} : memref<16384xf32, #tpu.memory_space<vmem>>, vector<16xf32>,
          %reduce_max3A_272 = arith.constant true
          %reduce_max3A_273 = vector.broadcast %reduce_max3A_272 : i1 to vector<16xi1>
          %reduce_max3A_274 = arith.constant -2147483648 : i32
          %reduce_max3A_275 = vector.broadcast %reduce_max3A_274 : i32 to vector<16xi32>
          %reduce_max3A_276 = arith.xori %masked_cumsum3A_259, %reduce_max3A_275 : vector<16xi32>
          %reduce_max3A_277 = tpu.scan <max>, %reduce_max3A_276 masked %reduce_max3A_273 : vector<16xi32>, vector<16xi1> -> vector<16xi32>
          %reduce_max3A_278 = arith.xori %reduce_max3A_277, %reduce_max3A_275 : vector<16xi32>
          %reduce_max3A_279 = vector.extract %reduce_max3A_278[15] : i32 from vector<16xi32>
          %add3A_280 = arith.addi %add3A_242, %reduce_max3A_279 : i32
          %mul3A_281 = arith.constant 16 : i32
          %mul3A_282 = arith.muli %scan3A_135, %mul3A_281 : i32
          %add3A_283 = arith.constant 4 : i32
          %add3A_284 = arith.addi %mul3A_282, %add3A_283 : i32
          %mul3A_285 = arith.constant 16 : i32
          %mul3A_286 = arith.muli %add3A_284, %mul3A_285 : i32
          %add3A_287 = arith.addi %mul3A_60, %mul3A_286 : i32
          %get3A_288 = arith.index_cast %add3A_287 : i32 to index
          %get3A_289 = tpu.vector_load %arg5[%get3A_288] {strides = array<i32>} : memref<16384xi32, #tpu.memory_space<vmem>>, vector<16xi32>,
          %get3A_290 = arith.index_cast %add3A_287 : i32 to index
          %get3A_291 = tpu.vector_load %arg4[%get3A_290] {strides = array<i32>} : memref<16384xf32, #tpu.memory_space<vmem>>, vector<16xf32>,
          %eq3A_292 = vector.broadcast %while3A_116#1 : i32 to vector<16xi32>
          %eq3A_293 = arith.cmpi eq, %get3A_289, %eq3A_292 : vector<16xi32>
          %convert_element_type3A_294 = arith.extui %eq3A_293 : vector<16xi1> to vector<16xi32>
          %broadcast_in_dim3A_295 = arith.constant true
          %broadcast_in_dim3A_296 = vector.broadcast %broadcast_in_dim3A_295 : i1 to vector<16xi1>
          %masked_cumsum3A_297 = tpu.scan <sum>, %convert_element_type3A_294 masked %broadcast_in_dim3A_296 : vector<16xi32>, vector<16xi1> -> vector<16xi32>
          %gt3A_298 = vector.broadcast %while3A_116#1 : i32 to vector<16xi32>
          %gt3A_299 = arith.cmpi sgt, %get3A_289, %gt3A_298 : vector<16xi32>
          %add3A_300 = vector.broadcast %add3A_280 : i32 to vector<16xi32>
          %add3A_301 = arith.addi %add3A_300, %masked_cumsum3A_297 : vector<16xi32>
          %le3A_302 = vector.broadcast %while3A_116#2 : i32 to vector<16xi32>
          %le3A_303 = arith.cmpi sle, %add3A_301, %le3A_302 : vector<16xi32>
          %and3A_304 = arith.andi %eq3A_293, %le3A_303 : vector<16xi1>
          %or3A_305 = arith.ori %gt3A_299, %and3A_304 : vector<16xi1>
          %broadcast_in_dim3A_306 = vector.broadcast %scan3A : f32 to vector<16xf32>
          %select_n3A_307 = arith.select %or3A_305, %get3A_291, %broadcast_in_dim3A_306 : vector<16xi1>, vector<16xf32>
          %swap3A_308 = arith.index_cast %add3A_287 : i32 to index
          %swap3A_309 = tpu.vector_load %arg4[%swap3A_308] {strides = array<i32>} : memref<16384xf32, #tpu.memory_space<vmem>>, vector<16xf32>,
          tpu.vector_store %arg4[%swap3A_308], %select_n3A_307 {strides = array<i32>} : memref<16384xf32, #tpu.memory_space<vmem>>, vector<16xf32>,
          %reduce_max3A_310 = arith.constant true
          %reduce_max3A_311 = vector.broadcast %reduce_max3A_310 : i1 to vector<16xi1>
          %reduce_max3A_312 = arith.constant -2147483648 : i32
          %reduce_max3A_313 = vector.broadcast %reduce_max3A_312 : i32 to vector<16xi32>
          %reduce_max3A_314 = arith.xori %masked_cumsum3A_297, %reduce_max3A_313 : vector<16xi32>
          %reduce_max3A_315 = tpu.scan <max>, %reduce_max3A_314 masked %reduce_max3A_311 : vector<16xi32>, vector<16xi1> -> vector<16xi32>
          %reduce_max3A_316 = arith.xori %reduce_max3A_315, %reduce_max3A_313 : vector<16xi32>
          %reduce_max3A_317 = vector.extract %reduce_max3A_316[15] : i32 from vector<16xi32>
          %add3A_318 = arith.addi %add3A_280, %reduce_max3A_317 : i32
          %mul3A_319 = arith.constant 16 : i32
          %mul3A_320 = arith.muli %scan3A_135, %mul3A_319 : i32
          %add3A_321 = arith.constant 5 : i32
          %add3A_322 = arith.addi %mul3A_320, %add3A_321 : i32
          %mul3A_323 = arith.constant 16 : i32
          %mul3A_324 = arith.muli %add3A_322, %mul3A_323 : i32
          %add3A_325 = arith.addi %mul3A_60, %mul3A_324 : i32
          %get3A_326 = arith.index_cast %add3A_325 : i32 to index
          %get3A_327 = tpu.vector_load %arg5[%get3A_326] {strides = array<i32>} : memref<16384xi32, #tpu.memory_space<vmem>>, vector<16xi32>,
          %get3A_328 = arith.index_cast %add3A_325 : i32 to index
          %get3A_329 = tpu.vector_load %arg4[%get3A_328] {strides = array<i32>} : memref<16384xf32, #tpu.memory_space<vmem>>, vector<16xf32>,
          %eq3A_330 = vector.broadcast %while3A_116#1 : i32 to vector<16xi32>
          %eq3A_331 = arith.cmpi eq, %get3A_327, %eq3A_330 : vector<16xi32>
          %convert_element_type3A_332 = arith.extui %eq3A_331 : vector<16xi1> to vector<16xi32>
          %broadcast_in_dim3A_333 = arith.constant true
          %broadcast_in_dim3A_334 = vector.broadcast %broadcast_in_dim3A_333 : i1 to vector<16xi1>
          %masked_cumsum3A_335 = tpu.scan <sum>, %convert_element_type3A_332 masked %broadcast_in_dim3A_334 : vector<16xi32>, vector<16xi1> -> vector<16xi32>
          %gt3A_336 = vector.broadcast %while3A_116#1 : i32 to vector<16xi32>
          %gt3A_337 = arith.cmpi sgt, %get3A_327, %gt3A_336 : vector<16xi32>
          %add3A_338 = vector.broadcast %add3A_318 : i32 to vector<16xi32>
          %add3A_339 = arith.addi %add3A_338, %masked_cumsum3A_335 : vector<16xi32>
          %le3A_340 = vector.broadcast %while3A_116#2 : i32 to vector<16xi32>
          %le3A_341 = arith.cmpi sle, %add3A_339, %le3A_340 : vector<16xi32>
          %and3A_342 = arith.andi %eq3A_331, %le3A_341 : vector<16xi1>
          %or3A_343 = arith.ori %gt3A_337, %and3A_342 : vector<16xi1>
          %broadcast_in_dim3A_344 = vector.broadcast %scan3A : f32 to vector<16xf32>
          %select_n3A_345 = arith.select %or3A_343, %get3A_329, %broadcast_in_dim3A_344 : vector<16xi1>, vector<16xf32>
          %swap3A_346 = arith.index_cast %add3A_325 : i32 to index
          %swap3A_347 = tpu.vector_load %arg4[%swap3A_346] {strides = array<i32>} : memref<16384xf32, #tpu.memory_space<vmem>>, vector<16xf32>,
          tpu.vector_store %arg4[%swap3A_346], %select_n3A_345 {strides = array<i32>} : memref<16384xf32, #tpu.memory_space<vmem>>, vector<16xf32>,
          %reduce_max3A_348 = arith.constant true
          %reduce_max3A_349 = vector.broadcast %reduce_max3A_348 : i1 to vector<16xi1>
          %reduce_max3A_350 = arith.constant -2147483648 : i32
          %reduce_max3A_351 = vector.broadcast %reduce_max3A_350 : i32 to vector<16xi32>
          %reduce_max3A_352 = arith.xori %masked_cumsum3A_335, %reduce_max3A_351 : vector<16xi32>
          %reduce_max3A_353 = tpu.scan <max>, %reduce_max3A_352 masked %reduce_max3A_349 : vector<16xi32>, vector<16xi1> -> vector<16xi32>
          %reduce_max3A_354 = arith.xori %reduce_max3A_353, %reduce_max3A_351 : vector<16xi32>
          %reduce_max3A_355 = vector.extract %reduce_max3A_354[15] : i32 from vector<16xi32>
          %add3A_356 = arith.addi %add3A_318, %reduce_max3A_355 : i32
          %mul3A_357 = arith.constant 16 : i32
          %mul3A_358 = arith.muli %scan3A_135, %mul3A_357 : i32
          %add3A_359 = arith.constant 6 : i32
          %add3A_360 = arith.addi %mul3A_358, %add3A_359 : i32
          %mul3A_361 = arith.constant 16 : i32
          %mul3A_362 = arith.muli %add3A_360, %mul3A_361 : i32
          %add3A_363 = arith.addi %mul3A_60, %mul3A_362 : i32
          %get3A_364 = arith.index_cast %add3A_363 : i32 to index
          %get3A_365 = tpu.vector_load %arg5[%get3A_364] {strides = array<i32>} : memref<16384xi32, #tpu.memory_space<vmem>>, vector<16xi32>,
          %get3A_366 = arith.index_cast %add3A_363 : i32 to index
          %get3A_367 = tpu.vector_load %arg4[%get3A_366] {strides = array<i32>} : memref<16384xf32, #tpu.memory_space<vmem>>, vector<16xf32>,
          %eq3A_368 = vector.broadcast %while3A_116#1 : i32 to vector<16xi32>
          %eq3A_369 = arith.cmpi eq, %get3A_365, %eq3A_368 : vector<16xi32>
          %convert_element_type3A_370 = arith.extui %eq3A_369 : vector<16xi1> to vector<16xi32>
          %broadcast_in_dim3A_371 = arith.constant true
          %broadcast_in_dim3A_372 = vector.broadcast %broadcast_in_dim3A_371 : i1 to vector<16xi1>
          %masked_cumsum3A_373 = tpu.scan <sum>, %convert_element_type3A_370 masked %broadcast_in_dim3A_372 : vector<16xi32>, vector<16xi1> -> vector<16xi32>
          %gt3A_374 = vector.broadcast %while3A_116#1 : i32 to vector<16xi32>
          %gt3A_375 = arith.cmpi sgt, %get3A_365, %gt3A_374 : vector<16xi32>
          %add3A_376 = vector.broadcast %add3A_356 : i32 to vector<16xi32>
          %add3A_377 = arith.addi %add3A_376, %masked_cumsum3A_373 : vector<16xi32>
          %le3A_378 = vector.broadcast %while3A_116#2 : i32 to vector<16xi32>
          %le3A_379 = arith.cmpi sle, %add3A_377, %le3A_378 : vector<16xi32>
          %and3A_380 = arith.andi %eq3A_369, %le3A_379 : vector<16xi1>
          %or3A_381 = arith.ori %gt3A_375, %and3A_380 : vector<16xi1>
          %broadcast_in_dim3A_382 = vector.broadcast %scan3A : f32 to vector<16xf32>
          %select_n3A_383 = arith.select %or3A_381, %get3A_367, %broadcast_in_dim3A_382 : vector<16xi1>, vector<16xf32>
          %swap3A_384 = arith.index_cast %add3A_363 : i32 to index
          %swap3A_385 = tpu.vector_load %arg4[%swap3A_384] {strides = array<i32>} : memref<16384xf32, #tpu.memory_space<vmem>>, vector<16xf32>,
          tpu.vector_store %arg4[%swap3A_384], %select_n3A_383 {strides = array<i32>} : memref<16384xf32, #tpu.memory_space<vmem>>, vector<16xf32>,
          %reduce_max3A_386 = arith.constant true
          %reduce_max3A_387 = vector.broadcast %reduce_max3A_386 : i1 to vector<16xi1>
          %reduce_max3A_388 = arith.constant -2147483648 : i32
          %reduce_max3A_389 = vector.broadcast %reduce_max3A_388 : i32 to vector<16xi32>
          %reduce_max3A_390 = arith.xori %masked_cumsum3A_373, %reduce_max3A_389 : vector<16xi32>
          %reduce_max3A_391 = tpu.scan <max>, %reduce_max3A_390 masked %reduce_max3A_387 : vector<16xi32>, vector<16xi1> -> vector<16xi32>
          %reduce_max3A_392 = arith.xori %reduce_max3A_391, %reduce_max3A_389 : vector<16xi32>
          %reduce_max3A_393 = vector.extract %reduce_max3A_392[15] : i32 from vector<16xi32>
          %add3A_394 = arith.addi %add3A_356, %reduce_max3A_393 : i32
          %mul3A_395 = arith.constant 16 : i32
          %mul3A_396 = arith.muli %scan3A_135, %mul3A_395 : i32
          %add3A_397 = arith.constant 7 : i32
          %add3A_398 = arith.addi %mul3A_396, %add3A_397 : i32
          %mul3A_399 = arith.constant 16 : i32
          %mul3A_400 = arith.muli %add3A_398, %mul3A_399 : i32
          %add3A_401 = arith.addi %mul3A_60, %mul3A_400 : i32
          %get3A_402 = arith.index_cast %add3A_401 : i32 to index
          %get3A_403 = tpu.vector_load %arg5[%get3A_402] {strides = array<i32>} : memref<16384xi32, #tpu.memory_space<vmem>>, vector<16xi32>,
          %get3A_404 = arith.index_cast %add3A_401 : i32 to index
          %get3A_405 = tpu.vector_load %arg4[%get3A_404] {strides = array<i32>} : memref<16384xf32, #tpu.memory_space<vmem>>, vector<16xf32>,
          %eq3A_406 = vector.broadcast %while3A_116#1 : i32 to vector<16xi32>
          %eq3A_407 = arith.cmpi eq, %get3A_403, %eq3A_406 : vector<16xi32>
          %convert_element_type3A_408 = arith.extui %eq3A_407 : vector<16xi1> to vector<16xi32>
          %broadcast_in_dim3A_409 = arith.constant true
          %broadcast_in_dim3A_410 = vector.broadcast %broadcast_in_dim3A_409 : i1 to vector<16xi1>
          %masked_cumsum3A_411 = tpu.scan <sum>, %convert_element_type3A_408 masked %broadcast_in_dim3A_410 : vector<16xi32>, vector<16xi1> -> vector<16xi32>
          %gt3A_412 = vector.broadcast %while3A_116#1 : i32 to vector<16xi32>
          %gt3A_413 = arith.cmpi sgt, %get3A_403, %gt3A_412 : vector<16xi32>
          %add3A_414 = vector.broadcast %add3A_394 : i32 to vector<16xi32>
          %add3A_415 = arith.addi %add3A_414, %masked_cumsum3A_411 : vector<16xi32>
          %le3A_416 = vector.broadcast %while3A_116#2 : i32 to vector<16xi32>
          %le3A_417 = arith.cmpi sle, %add3A_415, %le3A_416 : vector<16xi32>
          %and3A_418 = arith.andi %eq3A_407, %le3A_417 : vector<16xi1>
          %or3A_419 = arith.ori %gt3A_413, %and3A_418 : vector<16xi1>
          %broadcast_in_dim3A_420 = vector.broadcast %scan3A : f32 to vector<16xf32>
          %select_n3A_421 = arith.select %or3A_419, %get3A_405, %broadcast_in_dim3A_420 : vector<16xi1>, vector<16xf32>
          %swap3A_422 = arith.index_cast %add3A_401 : i32 to index
          %swap3A_423 = tpu.vector_load %arg4[%swap3A_422] {strides = array<i32>} : memref<16384xf32, #tpu.memory_space<vmem>>, vector<16xf32>,
          tpu.vector_store %arg4[%swap3A_422], %select_n3A_421 {strides = array<i32>} : memref<16384xf32, #tpu.memory_space<vmem>>, vector<16xf32>,
          %reduce_max3A_424 = arith.constant true
          %reduce_max3A_425 = vector.broadcast %reduce_max3A_424 : i1 to vector<16xi1>
          %reduce_max3A_426 = arith.constant -2147483648 : i32
          %reduce_max3A_427 = vector.broadcast %reduce_max3A_426 : i32 to vector<16xi32>
          %reduce_max3A_428 = arith.xori %masked_cumsum3A_411, %reduce_max3A_427 : vector<16xi32>
          %reduce_max3A_429 = tpu.scan <max>, %reduce_max3A_428 masked %reduce_max3A_425 : vector<16xi32>, vector<16xi1> -> vector<16xi32>
          %reduce_max3A_430 = arith.xori %reduce_max3A_429, %reduce_max3A_427 : vector<16xi32>
          %reduce_max3A_431 = vector.extract %reduce_max3A_430[15] : i32 from vector<16xi32>
          %add3A_432 = arith.addi %add3A_394, %reduce_max3A_431 : i32
          %mul3A_433 = arith.constant 16 : i32
          %mul3A_434 = arith.muli %scan3A_135, %mul3A_433 : i32
          %add3A_435 = arith.constant 8 : i32
          %add3A_436 = arith.addi %mul3A_434, %add3A_435 : i32
          %mul3A_437 = arith.constant 16 : i32
          %mul3A_438 = arith.muli %add3A_436, %mul3A_437 : i32
          %add3A_439 = arith.addi %mul3A_60, %mul3A_438 : i32
          %get3A_440 = arith.index_cast %add3A_439 : i32 to index
          %get3A_441 = tpu.vector_load %arg5[%get3A_440] {strides = array<i32>} : memref<16384xi32, #tpu.memory_space<vmem>>, vector<16xi32>,
          %get3A_442 = arith.index_cast %add3A_439 : i32 to index
          %get3A_443 = tpu.vector_load %arg4[%get3A_442] {strides = array<i32>} : memref<16384xf32, #tpu.memory_space<vmem>>, vector<16xf32>,
          %eq3A_444 = vector.broadcast %while3A_116#1 : i32 to vector<16xi32>
          %eq3A_445 = arith.cmpi eq, %get3A_441, %eq3A_444 : vector<16xi32>
          %convert_element_type3A_446 = arith.extui %eq3A_445 : vector<16xi1> to vector<16xi32>
          %broadcast_in_dim3A_447 = arith.constant true
          %broadcast_in_dim3A_448 = vector.broadcast %broadcast_in_dim3A_447 : i1 to vector<16xi1>
          %masked_cumsum3A_449 = tpu.scan <sum>, %convert_element_type3A_446 masked %broadcast_in_dim3A_448 : vector<16xi32>, vector<16xi1> -> vector<16xi32>
          %gt3A_450 = vector.broadcast %while3A_116#1 : i32 to vector<16xi32>
          %gt3A_451 = arith.cmpi sgt, %get3A_441, %gt3A_450 : vector<16xi32>
          %add3A_452 = vector.broadcast %add3A_432 : i32 to vector<16xi32>
          %add3A_453 = arith.addi %add3A_452, %masked_cumsum3A_449 : vector<16xi32>
          %le3A_454 = vector.broadcast %while3A_116#2 : i32 to vector<16xi32>
          %le3A_455 = arith.cmpi sle, %add3A_453, %le3A_454 : vector<16xi32>
          %and3A_456 = arith.andi %eq3A_445, %le3A_455 : vector<16xi1>
          %or3A_457 = arith.ori %gt3A_451, %and3A_456 : vector<16xi1>
          %broadcast_in_dim3A_458 = vector.broadcast %scan3A : f32 to vector<16xf32>
          %select_n3A_459 = arith.select %or3A_457, %get3A_443, %broadcast_in_dim3A_458 : vector<16xi1>, vector<16xf32>
          %swap3A_460 = arith.index_cast %add3A_439 : i32 to index
          %swap3A_461 = tpu.vector_load %arg4[%swap3A_460] {strides = array<i32>} : memref<16384xf32, #tpu.memory_space<vmem>>, vector<16xf32>,
          tpu.vector_store %arg4[%swap3A_460], %select_n3A_459 {strides = array<i32>} : memref<16384xf32, #tpu.memory_space<vmem>>, vector<16xf32>,
          %reduce_max3A_462 = arith.constant true
          %reduce_max3A_463 = vector.broadcast %reduce_max3A_462 : i1 to vector<16xi1>
          %reduce_max3A_464 = arith.constant -2147483648 : i32
          %reduce_max3A_465 = vector.broadcast %reduce_max3A_464 : i32 to vector<16xi32>
          %reduce_max3A_466 = arith.xori %masked_cumsum3A_449, %reduce_max3A_465 : vector<16xi32>
          %reduce_max3A_467 = tpu.scan <max>, %reduce_max3A_466 masked %reduce_max3A_463 : vector<16xi32>, vector<16xi1> -> vector<16xi32>
          %reduce_max3A_468 = arith.xori %reduce_max3A_467, %reduce_max3A_465 : vector<16xi32>
          %reduce_max3A_469 = vector.extract %reduce_max3A_468[15] : i32 from vector<16xi32>
          %add3A_470 = arith.addi %add3A_432, %reduce_max3A_469 : i32
          %mul3A_471 = arith.constant 16 : i32
          %mul3A_472 = arith.muli %scan3A_135, %mul3A_471 : i32
          %add3A_473 = arith.constant 9 : i32
          %add3A_474 = arith.addi %mul3A_472, %add3A_473 : i32
          %mul3A_475 = arith.constant 16 : i32
          %mul3A_476 = arith.muli %add3A_474, %mul3A_475 : i32
          %add3A_477 = arith.addi %mul3A_60, %mul3A_476 : i32
          %get3A_478 = arith.index_cast %add3A_477 : i32 to index
          %get3A_479 = tpu.vector_load %arg5[%get3A_478] {strides = array<i32>} : memref<16384xi32, #tpu.memory_space<vmem>>, vector<16xi32>,
          %get3A_480 = arith.index_cast %add3A_477 : i32 to index
          %get3A_481 = tpu.vector_load %arg4[%get3A_480] {strides = array<i32>} : memref<16384xf32, #tpu.memory_space<vmem>>, vector<16xf32>,
          %eq3A_482 = vector.broadcast %while3A_116#1 : i32 to vector<16xi32>
          %eq3A_483 = arith.cmpi eq, %get3A_479, %eq3A_482 : vector<16xi32>
          %convert_element_type3A_484 = arith.extui %eq3A_483 : vector<16xi1> to vector<16xi32>
          %broadcast_in_dim3A_485 = arith.constant true
          %broadcast_in_dim3A_486 = vector.broadcast %broadcast_in_dim3A_485 : i1 to vector<16xi1>
          %masked_cumsum3A_487 = tpu.scan <sum>, %convert_element_type3A_484 masked %broadcast_in_dim3A_486 : vector<16xi32>, vector<16xi1> -> vector<16xi32>
          %gt3A_488 = vector.broadcast %while3A_116#1 : i32 to vector<16xi32>
          %gt3A_489 = arith.cmpi sgt, %get3A_479, %gt3A_488 : vector<16xi32>
          %add3A_490 = vector.broadcast %add3A_470 : i32 to vector<16xi32>
          %add3A_491 = arith.addi %add3A_490, %masked_cumsum3A_487 : vector<16xi32>
          %le3A_492 = vector.broadcast %while3A_116#2 : i32 to vector<16xi32>
          %le3A_493 = arith.cmpi sle, %add3A_491, %le3A_492 : vector<16xi32>
          %and3A_494 = arith.andi %eq3A_483, %le3A_493 : vector<16xi1>
          %or3A_495 = arith.ori %gt3A_489, %and3A_494 : vector<16xi1>
          %broadcast_in_dim3A_496 = vector.broadcast %scan3A : f32 to vector<16xf32>
          %select_n3A_497 = arith.select %or3A_495, %get3A_481, %broadcast_in_dim3A_496 : vector<16xi1>, vector<16xf32>
          %swap3A_498 = arith.index_cast %add3A_477 : i32 to index
          %swap3A_499 = tpu.vector_load %arg4[%swap3A_498] {strides = array<i32>} : memref<16384xf32, #tpu.memory_space<vmem>>, vector<16xf32>,
          tpu.vector_store %arg4[%swap3A_498], %select_n3A_497 {strides = array<i32>} : memref<16384xf32, #tpu.memory_space<vmem>>, vector<16xf32>,
          %reduce_max3A_500 = arith.constant true
          %reduce_max3A_501 = vector.broadcast %reduce_max3A_500 : i1 to vector<16xi1>
          %reduce_max3A_502 = arith.constant -2147483648 : i32
          %reduce_max3A_503 = vector.broadcast %reduce_max3A_502 : i32 to vector<16xi32>
          %reduce_max3A_504 = arith.xori %masked_cumsum3A_487, %reduce_max3A_503 : vector<16xi32>
          %reduce_max3A_505 = tpu.scan <max>, %reduce_max3A_504 masked %reduce_max3A_501 : vector<16xi32>, vector<16xi1> -> vector<16xi32>
          %reduce_max3A_506 = arith.xori %reduce_max3A_505, %reduce_max3A_503 : vector<16xi32>
          %reduce_max3A_507 = vector.extract %reduce_max3A_506[15] : i32 from vector<16xi32>
          %add3A_508 = arith.addi %add3A_470, %reduce_max3A_507 : i32
          %mul3A_509 = arith.constant 16 : i32
          %mul3A_510 = arith.muli %scan3A_135, %mul3A_509 : i32
          %add3A_511 = arith.constant 10 : i32
          %add3A_512 = arith.addi %mul3A_510, %add3A_511 : i32
          %mul3A_513 = arith.constant 16 : i32
          %mul3A_514 = arith.muli %add3A_512, %mul3A_513 : i32
          %add3A_515 = arith.addi %mul3A_60, %mul3A_514 : i32
          %get3A_516 = arith.index_cast %add3A_515 : i32 to index
          %get3A_517 = tpu.vector_load %arg5[%get3A_516] {strides = array<i32>} : memref<16384xi32, #tpu.memory_space<vmem>>, vector<16xi32>,
          %get3A_518 = arith.index_cast %add3A_515 : i32 to index
          %get3A_519 = tpu.vector_load %arg4[%get3A_518] {strides = array<i32>} : memref<16384xf32, #tpu.memory_space<vmem>>, vector<16xf32>,
          %eq3A_520 = vector.broadcast %while3A_116#1 : i32 to vector<16xi32>
          %eq3A_521 = arith.cmpi eq, %get3A_517, %eq3A_520 : vector<16xi32>
          %convert_element_type3A_522 = arith.extui %eq3A_521 : vector<16xi1> to vector<16xi32>
          %broadcast_in_dim3A_523 = arith.constant true
          %broadcast_in_dim3A_524 = vector.broadcast %broadcast_in_dim3A_523 : i1 to vector<16xi1>
          %masked_cumsum3A_525 = tpu.scan <sum>, %convert_element_type3A_522 masked %broadcast_in_dim3A_524 : vector<16xi32>, vector<16xi1> -> vector<16xi32>
          %gt3A_526 = vector.broadcast %while3A_116#1 : i32 to vector<16xi32>
          %gt3A_527 = arith.cmpi sgt, %get3A_517, %gt3A_526 : vector<16xi32>
          %add3A_528 = vector.broadcast %add3A_508 : i32 to vector<16xi32>
          %add3A_529 = arith.addi %add3A_528, %masked_cumsum3A_525 : vector<16xi32>
          %le3A_530 = vector.broadcast %while3A_116#2 : i32 to vector<16xi32>
          %le3A_531 = arith.cmpi sle, %add3A_529, %le3A_530 : vector<16xi32>
          %and3A_532 = arith.andi %eq3A_521, %le3A_531 : vector<16xi1>
          %or3A_533 = arith.ori %gt3A_527, %and3A_532 : vector<16xi1>
          %broadcast_in_dim3A_534 = vector.broadcast %scan3A : f32 to vector<16xf32>
          %select_n3A_535 = arith.select %or3A_533, %get3A_519, %broadcast_in_dim3A_534 : vector<16xi1>, vector<16xf32>
          %swap3A_536 = arith.index_cast %add3A_515 : i32 to index
          %swap3A_537 = tpu.vector_load %arg4[%swap3A_536] {strides = array<i32>} : memref<16384xf32, #tpu.memory_space<vmem>>, vector<16xf32>,
          tpu.vector_store %arg4[%swap3A_536], %select_n3A_535 {strides = array<i32>} : memref<16384xf32, #tpu.memory_space<vmem>>, vector<16xf32>,
          %reduce_max3A_538 = arith.constant true
          %reduce_max3A_539 = vector.broadcast %reduce_max3A_538 : i1 to vector<16xi1>
          %reduce_max3A_540 = arith.constant -2147483648 : i32
          %reduce_max3A_541 = vector.broadcast %reduce_max3A_540 : i32 to vector<16xi32>
          %reduce_max3A_542 = arith.xori %masked_cumsum3A_525, %reduce_max3A_541 : vector<16xi32>
          %reduce_max3A_543 = tpu.scan <max>, %reduce_max3A_542 masked %reduce_max3A_539 : vector<16xi32>, vector<16xi1> -> vector<16xi32>
          %reduce_max3A_544 = arith.xori %reduce_max3A_543, %reduce_max3A_541 : vector<16xi32>
          %reduce_max3A_545 = vector.extract %reduce_max3A_544[15] : i32 from vector<16xi32>
          %add3A_546 = arith.addi %add3A_508, %reduce_max3A_545 : i32
          %mul3A_547 = arith.constant 16 : i32
          %mul3A_548 = arith.muli %scan3A_135, %mul3A_547 : i32
          %add3A_549 = arith.constant 11 : i32
          %add3A_550 = arith.addi %mul3A_548, %add3A_549 : i32
          %mul3A_551 = arith.constant 16 : i32
          %mul3A_552 = arith.muli %add3A_550, %mul3A_551 : i32
          %add3A_553 = arith.addi %mul3A_60, %mul3A_552 : i32
          %get3A_554 = arith.index_cast %add3A_553 : i32 to index
          %get3A_555 = tpu.vector_load %arg5[%get3A_554] {strides = array<i32>} : memref<16384xi32, #tpu.memory_space<vmem>>, vector<16xi32>,
          %get3A_556 = arith.index_cast %add3A_553 : i32 to index
          %get3A_557 = tpu.vector_load %arg4[%get3A_556] {strides = array<i32>} : memref<16384xf32, #tpu.memory_space<vmem>>, vector<16xf32>,
          %eq3A_558 = vector.broadcast %while3A_116#1 : i32 to vector<16xi32>
          %eq3A_559 = arith.cmpi eq, %get3A_555, %eq3A_558 : vector<16xi32>
          %convert_element_type3A_560 = arith.extui %eq3A_559 : vector<16xi1> to vector<16xi32>
          %broadcast_in_dim3A_561 = arith.constant true
          %broadcast_in_dim3A_562 = vector.broadcast %broadcast_in_dim3A_561 : i1 to vector<16xi1>
          %masked_cumsum3A_563 = tpu.scan <sum>, %convert_element_type3A_560 masked %broadcast_in_dim3A_562 : vector<16xi32>, vector<16xi1> -> vector<16xi32>
          %gt3A_564 = vector.broadcast %while3A_116#1 : i32 to vector<16xi32>
          %gt3A_565 = arith.cmpi sgt, %get3A_555, %gt3A_564 : vector<16xi32>
          %add3A_566 = vector.broadcast %add3A_546 : i32 to vector<16xi32>
          %add3A_567 = arith.addi %add3A_566, %masked_cumsum3A_563 : vector<16xi32>
          %le3A_568 = vector.broadcast %while3A_116#2 : i32 to vector<16xi32>
          %le3A_569 = arith.cmpi sle, %add3A_567, %le3A_568 : vector<16xi32>
          %and3A_570 = arith.andi %eq3A_559, %le3A_569 : vector<16xi1>
          %or3A_571 = arith.ori %gt3A_565, %and3A_570 : vector<16xi1>
          %broadcast_in_dim3A_572 = vector.broadcast %scan3A : f32 to vector<16xf32>
          %select_n3A_573 = arith.select %or3A_571, %get3A_557, %broadcast_in_dim3A_572 : vector<16xi1>, vector<16xf32>
          %swap3A_574 = arith.index_cast %add3A_553 : i32 to index
          %swap3A_575 = tpu.vector_load %arg4[%swap3A_574] {strides = array<i32>} : memref<16384xf32, #tpu.memory_space<vmem>>, vector<16xf32>,
          tpu.vector_store %arg4[%swap3A_574], %select_n3A_573 {strides = array<i32>} : memref<16384xf32, #tpu.memory_space<vmem>>, vector<16xf32>,
          %reduce_max3A_576 = arith.constant true
          %reduce_max3A_577 = vector.broadcast %reduce_max3A_576 : i1 to vector<16xi1>
          %reduce_max3A_578 = arith.constant -2147483648 : i32
          %reduce_max3A_579 = vector.broadcast %reduce_max3A_578 : i32 to vector<16xi32>
          %reduce_max3A_580 = arith.xori %masked_cumsum3A_563, %reduce_max3A_579 : vector<16xi32>
          %reduce_max3A_581 = tpu.scan <max>, %reduce_max3A_580 masked %reduce_max3A_577 : vector<16xi32>, vector<16xi1> -> vector<16xi32>
          %reduce_max3A_582 = arith.xori %reduce_max3A_581, %reduce_max3A_579 : vector<16xi32>
          %reduce_max3A_583 = vector.extract %reduce_max3A_582[15] : i32 from vector<16xi32>
          %add3A_584 = arith.addi %add3A_546, %reduce_max3A_583 : i32
          %mul3A_585 = arith.constant 16 : i32
          %mul3A_586 = arith.muli %scan3A_135, %mul3A_585 : i32
          %add3A_587 = arith.constant 12 : i32
          %add3A_588 = arith.addi %mul3A_586, %add3A_587 : i32
          %mul3A_589 = arith.constant 16 : i32
          %mul3A_590 = arith.muli %add3A_588, %mul3A_589 : i32
          %add3A_591 = arith.addi %mul3A_60, %mul3A_590 : i32
          %get3A_592 = arith.index_cast %add3A_591 : i32 to index
          %get3A_593 = tpu.vector_load %arg5[%get3A_592] {strides = array<i32>} : memref<16384xi32, #tpu.memory_space<vmem>>, vector<16xi32>,
          %get3A_594 = arith.index_cast %add3A_591 : i32 to index
          %get3A_595 = tpu.vector_load %arg4[%get3A_594] {strides = array<i32>} : memref<16384xf32, #tpu.memory_space<vmem>>, vector<16xf32>,
          %eq3A_596 = vector.broadcast %while3A_116#1 : i32 to vector<16xi32>
          %eq3A_597 = arith.cmpi eq, %get3A_593, %eq3A_596 : vector<16xi32>
          %convert_element_type3A_598 = arith.extui %eq3A_597 : vector<16xi1> to vector<16xi32>
          %broadcast_in_dim3A_599 = arith.constant true
          %broadcast_in_dim3A_600 = vector.broadcast %broadcast_in_dim3A_599 : i1 to vector<16xi1>
          %masked_cumsum3A_601 = tpu.scan <sum>, %convert_element_type3A_598 masked %broadcast_in_dim3A_600 : vector<16xi32>, vector<16xi1> -> vector<16xi32>
          %gt3A_602 = vector.broadcast %while3A_116#1 : i32 to vector<16xi32>
          %gt3A_603 = arith.cmpi sgt, %get3A_593, %gt3A_602 : vector<16xi32>
          %add3A_604 = vector.broadcast %add3A_584 : i32 to vector<16xi32>
          %add3A_605 = arith.addi %add3A_604, %masked_cumsum3A_601 : vector<16xi32>
          %le3A_606 = vector.broadcast %while3A_116#2 : i32 to vector<16xi32>
          %le3A_607 = arith.cmpi sle, %add3A_605, %le3A_606 : vector<16xi32>
          %and3A_608 = arith.andi %eq3A_597, %le3A_607 : vector<16xi1>
          %or3A_609 = arith.ori %gt3A_603, %and3A_608 : vector<16xi1>
          %broadcast_in_dim3A_610 = vector.broadcast %scan3A : f32 to vector<16xf32>
          %select_n3A_611 = arith.select %or3A_609, %get3A_595, %broadcast_in_dim3A_610 : vector<16xi1>, vector<16xf32>
          %swap3A_612 = arith.index_cast %add3A_591 : i32 to index
          %swap3A_613 = tpu.vector_load %arg4[%swap3A_612] {strides = array<i32>} : memref<16384xf32, #tpu.memory_space<vmem>>, vector<16xf32>,
          tpu.vector_store %arg4[%swap3A_612], %select_n3A_611 {strides = array<i32>} : memref<16384xf32, #tpu.memory_space<vmem>>, vector<16xf32>,
          %reduce_max3A_614 = arith.constant true
          %reduce_max3A_615 = vector.broadcast %reduce_max3A_614 : i1 to vector<16xi1>
          %reduce_max3A_616 = arith.constant -2147483648 : i32
          %reduce_max3A_617 = vector.broadcast %reduce_max3A_616 : i32 to vector<16xi32>
          %reduce_max3A_618 = arith.xori %masked_cumsum3A_601, %reduce_max3A_617 : vector<16xi32>
          %reduce_max3A_619 = tpu.scan <max>, %reduce_max3A_618 masked %reduce_max3A_615 : vector<16xi32>, vector<16xi1> -> vector<16xi32>
          %reduce_max3A_620 = arith.xori %reduce_max3A_619, %reduce_max3A_617 : vector<16xi32>
          %reduce_max3A_621 = vector.extract %reduce_max3A_620[15] : i32 from vector<16xi32>
          %add3A_622 = arith.addi %add3A_584, %reduce_max3A_621 : i32
          %mul3A_623 = arith.constant 16 : i32
          %mul3A_624 = arith.muli %scan3A_135, %mul3A_623 : i32
          %add3A_625 = arith.constant 13 : i32
          %add3A_626 = arith.addi %mul3A_624, %add3A_625 : i32
          %mul3A_627 = arith.constant 16 : i32
          %mul3A_628 = arith.muli %add3A_626, %mul3A_627 : i32
          %add3A_629 = arith.addi %mul3A_60, %mul3A_628 : i32
          %get3A_630 = arith.index_cast %add3A_629 : i32 to index
          %get3A_631 = tpu.vector_load %arg5[%get3A_630] {strides = array<i32>} : memref<16384xi32, #tpu.memory_space<vmem>>, vector<16xi32>,
          %get3A_632 = arith.index_cast %add3A_629 : i32 to index
          %get3A_633 = tpu.vector_load %arg4[%get3A_632] {strides = array<i32>} : memref<16384xf32, #tpu.memory_space<vmem>>, vector<16xf32>,
          %eq3A_634 = vector.broadcast %while3A_116#1 : i32 to vector<16xi32>
          %eq3A_635 = arith.cmpi eq, %get3A_631, %eq3A_634 : vector<16xi32>
          %convert_element_type3A_636 = arith.extui %eq3A_635 : vector<16xi1> to vector<16xi32>
          %broadcast_in_dim3A_637 = arith.constant true
          %broadcast_in_dim3A_638 = vector.broadcast %broadcast_in_dim3A_637 : i1 to vector<16xi1>
          %masked_cumsum3A_639 = tpu.scan <sum>, %convert_element_type3A_636 masked %broadcast_in_dim3A_638 : vector<16xi32>, vector<16xi1> -> vector<16xi32>
          %gt3A_640 = vector.broadcast %while3A_116#1 : i32 to vector<16xi32>
          %gt3A_641 = arith.cmpi sgt, %get3A_631, %gt3A_640 : vector<16xi32>
          %add3A_642 = vector.broadcast %add3A_622 : i32 to vector<16xi32>
          %add3A_643 = arith.addi %add3A_642, %masked_cumsum3A_639 : vector<16xi32>
          %le3A_644 = vector.broadcast %while3A_116#2 : i32 to vector<16xi32>
          %le3A_645 = arith.cmpi sle, %add3A_643, %le3A_644 : vector<16xi32>
          %and3A_646 = arith.andi %eq3A_635, %le3A_645 : vector<16xi1>
          %or3A_647 = arith.ori %gt3A_641, %and3A_646 : vector<16xi1>
          %broadcast_in_dim3A_648 = vector.broadcast %scan3A : f32 to vector<16xf32>
          %select_n3A_649 = arith.select %or3A_647, %get3A_633, %broadcast_in_dim3A_648 : vector<16xi1>, vector<16xf32>
          %swap3A_650 = arith.index_cast %add3A_629 : i32 to index
          %swap3A_651 = tpu.vector_load %arg4[%swap3A_650] {strides = array<i32>} : memref<16384xf32, #tpu.memory_space<vmem>>, vector<16xf32>,
          tpu.vector_store %arg4[%swap3A_650], %select_n3A_649 {strides = array<i32>} : memref<16384xf32, #tpu.memory_space<vmem>>, vector<16xf32>,
          %reduce_max3A_652 = arith.constant true
          %reduce_max3A_653 = vector.broadcast %reduce_max3A_652 : i1 to vector<16xi1>
          %reduce_max3A_654 = arith.constant -2147483648 : i32
          %reduce_max3A_655 = vector.broadcast %reduce_max3A_654 : i32 to vector<16xi32>
          %reduce_max3A_656 = arith.xori %masked_cumsum3A_639, %reduce_max3A_655 : vector<16xi32>
          %reduce_max3A_657 = tpu.scan <max>, %reduce_max3A_656 masked %reduce_max3A_653 : vector<16xi32>, vector<16xi1> -> vector<16xi32>
          %reduce_max3A_658 = arith.xori %reduce_max3A_657, %reduce_max3A_655 : vector<16xi32>
          %reduce_max3A_659 = vector.extract %reduce_max3A_658[15] : i32 from vector<16xi32>
          %add3A_660 = arith.addi %add3A_622, %reduce_max3A_659 : i32
          %mul3A_661 = arith.constant 16 : i32
          %mul3A_662 = arith.muli %scan3A_135, %mul3A_661 : i32
          %add3A_663 = arith.constant 14 : i32
          %add3A_664 = arith.addi %mul3A_662, %add3A_663 : i32
          %mul3A_665 = arith.constant 16 : i32
          %mul3A_666 = arith.muli %add3A_664, %mul3A_665 : i32
          %add3A_667 = arith.addi %mul3A_60, %mul3A_666 : i32
          %get3A_668 = arith.index_cast %add3A_667 : i32 to index
          %get3A_669 = tpu.vector_load %arg5[%get3A_668] {strides = array<i32>} : memref<16384xi32, #tpu.memory_space<vmem>>, vector<16xi32>,
          %get3A_670 = arith.index_cast %add3A_667 : i32 to index
          %get3A_671 = tpu.vector_load %arg4[%get3A_670] {strides = array<i32>} : memref<16384xf32, #tpu.memory_space<vmem>>, vector<16xf32>,
          %eq3A_672 = vector.broadcast %while3A_116#1 : i32 to vector<16xi32>
          %eq3A_673 = arith.cmpi eq, %get3A_669, %eq3A_672 : vector<16xi32>
          %convert_element_type3A_674 = arith.extui %eq3A_673 : vector<16xi1> to vector<16xi32>
          %broadcast_in_dim3A_675 = arith.constant true
          %broadcast_in_dim3A_676 = vector.broadcast %broadcast_in_dim3A_675 : i1 to vector<16xi1>
          %masked_cumsum3A_677 = tpu.scan <sum>, %convert_element_type3A_674 masked %broadcast_in_dim3A_676 : vector<16xi32>, vector<16xi1> -> vector<16xi32>
          %gt3A_678 = vector.broadcast %while3A_116#1 : i32 to vector<16xi32>
          %gt3A_679 = arith.cmpi sgt, %get3A_669, %gt3A_678 : vector<16xi32>
          %add3A_680 = vector.broadcast %add3A_660 : i32 to vector<16xi32>
          %add3A_681 = arith.addi %add3A_680, %masked_cumsum3A_677 : vector<16xi32>
          %le3A_682 = vector.broadcast %while3A_116#2 : i32 to vector<16xi32>
          %le3A_683 = arith.cmpi sle, %add3A_681, %le3A_682 : vector<16xi32>
          %and3A_684 = arith.andi %eq3A_673, %le3A_683 : vector<16xi1>
          %or3A_685 = arith.ori %gt3A_679, %and3A_684 : vector<16xi1>
          %broadcast_in_dim3A_686 = vector.broadcast %scan3A : f32 to vector<16xf32>
          %select_n3A_687 = arith.select %or3A_685, %get3A_671, %broadcast_in_dim3A_686 : vector<16xi1>, vector<16xf32>
          %swap3A_688 = arith.index_cast %add3A_667 : i32 to index
          %swap3A_689 = tpu.vector_load %arg4[%swap3A_688] {strides = array<i32>} : memref<16384xf32, #tpu.memory_space<vmem>>, vector<16xf32>,
          tpu.vector_store %arg4[%swap3A_688], %select_n3A_687 {strides = array<i32>} : memref<16384xf32, #tpu.memory_space<vmem>>, vector<16xf32>,
          %reduce_max3A_690 = arith.constant true
          %reduce_max3A_691 = vector.broadcast %reduce_max3A_690 : i1 to vector<16xi1>
          %reduce_max3A_692 = arith.constant -2147483648 : i32
          %reduce_max3A_693 = vector.broadcast %reduce_max3A_692 : i32 to vector<16xi32>
          %reduce_max3A_694 = arith.xori %masked_cumsum3A_677, %reduce_max3A_693 : vector<16xi32>
          %reduce_max3A_695 = tpu.scan <max>, %reduce_max3A_694 masked %reduce_max3A_691 : vector<16xi32>, vector<16xi1> -> vector<16xi32>
          %reduce_max3A_696 = arith.xori %reduce_max3A_695, %reduce_max3A_693 : vector<16xi32>
          %reduce_max3A_697 = vector.extract %reduce_max3A_696[15] : i32 from vector<16xi32>
          %add3A_698 = arith.addi %add3A_660, %reduce_max3A_697 : i32
          %mul3A_699 = arith.constant 16 : i32
          %mul3A_700 = arith.muli %scan3A_135, %mul3A_699 : i32
          %add3A_701 = arith.constant 15 : i32
          %add3A_702 = arith.addi %mul3A_700, %add3A_701 : i32
          %mul3A_703 = arith.constant 16 : i32
          %mul3A_704 = arith.muli %add3A_702, %mul3A_703 : i32
          %add3A_705 = arith.addi %mul3A_60, %mul3A_704 : i32
          %get3A_706 = arith.index_cast %add3A_705 : i32 to index
          %get3A_707 = tpu.vector_load %arg5[%get3A_706] {strides = array<i32>} : memref<16384xi32, #tpu.memory_space<vmem>>, vector<16xi32>,
          %get3A_708 = arith.index_cast %add3A_705 : i32 to index
          %get3A_709 = tpu.vector_load %arg4[%get3A_708] {strides = array<i32>} : memref<16384xf32, #tpu.memory_space<vmem>>, vector<16xf32>,
          %eq3A_710 = vector.broadcast %while3A_116#1 : i32 to vector<16xi32>
          %eq3A_711 = arith.cmpi eq, %get3A_707, %eq3A_710 : vector<16xi32>
          %convert_element_type3A_712 = arith.extui %eq3A_711 : vector<16xi1> to vector<16xi32>
          %broadcast_in_dim3A_713 = arith.constant true
          %broadcast_in_dim3A_714 = vector.broadcast %broadcast_in_dim3A_713 : i1 to vector<16xi1>
          %masked_cumsum3A_715 = tpu.scan <sum>, %convert_element_type3A_712 masked %broadcast_in_dim3A_714 : vector<16xi32>, vector<16xi1> -> vector<16xi32>
          %gt3A_716 = vector.broadcast %while3A_116#1 : i32 to vector<16xi32>
          %gt3A_717 = arith.cmpi sgt, %get3A_707, %gt3A_716 : vector<16xi32>
          %add3A_718 = vector.broadcast %add3A_698 : i32 to vector<16xi32>
          %add3A_719 = arith.addi %add3A_718, %masked_cumsum3A_715 : vector<16xi32>
          %le3A_720 = vector.broadcast %while3A_116#2 : i32 to vector<16xi32>
          %le3A_721 = arith.cmpi sle, %add3A_719, %le3A_720 : vector<16xi32>
          %and3A_722 = arith.andi %eq3A_711, %le3A_721 : vector<16xi1>
          %or3A_723 = arith.ori %gt3A_717, %and3A_722 : vector<16xi1>
          %broadcast_in_dim3A_724 = vector.broadcast %scan3A : f32 to vector<16xf32>
          %select_n3A_725 = arith.select %or3A_723, %get3A_709, %broadcast_in_dim3A_724 : vector<16xi1>, vector<16xf32>
          %swap3A_726 = arith.index_cast %add3A_705 : i32 to index
          %swap3A_727 = tpu.vector_load %arg4[%swap3A_726] {strides = array<i32>} : memref<16384xf32, #tpu.memory_space<vmem>>, vector<16xf32>,
          tpu.vector_store %arg4[%swap3A_726], %select_n3A_725 {strides = array<i32>} : memref<16384xf32, #tpu.memory_space<vmem>>, vector<16xf32>,
          %reduce_max3A_728 = arith.constant true
          %reduce_max3A_729 = vector.broadcast %reduce_max3A_728 : i1 to vector<16xi1>
          %reduce_max3A_730 = arith.constant -2147483648 : i32
          %reduce_max3A_731 = vector.broadcast %reduce_max3A_730 : i32 to vector<16xi32>
          %reduce_max3A_732 = arith.xori %masked_cumsum3A_715, %reduce_max3A_731 : vector<16xi32>
          %reduce_max3A_733 = tpu.scan <max>, %reduce_max3A_732 masked %reduce_max3A_729 : vector<16xi32>, vector<16xi1> -> vector<16xi32>
          %reduce_max3A_734 = arith.xori %reduce_max3A_733, %reduce_max3A_731 : vector<16xi32>
          %reduce_max3A_735 = vector.extract %reduce_max3A_734[15] : i32 from vector<16xi32>
          %add3A_736 = arith.addi %add3A_698, %reduce_max3A_735 : i32
          scf.yield %add3A_736 : i32
        }
        %scan3A_134 = arith.constant 32 : i32
      }
      %add3A_118 = arith.addi %mul3A_2, %scan3A_57 : i32
      %dma_start3A_119 = tpu.memref_slice %arg4[%mul3A_60] : memref<16384xf32, #tpu.memory_space<vmem>> -> memref<8192xf32, #tpu.memory_space<vmem>>
      %dma_start3A_120 = arith.constant 0 : i32
      %dma_start3A_121 = tpu.memref_slice %arg3[%add3A_118, %dma_start3A_120] : memref<64x8192xf32, #tpu.memory_space<hbm>> -> memref<1x8192xf32, #tpu.memory_space<hbm>>
      %dma_start3A_122 = tpu.memref_squeeze %dma_start3A_121 : memref<1x8192xf32, #tpu.memory_space<hbm>> -> memref<8192xf32, #tpu.memory_space<hbm>>
      %dma_start3A_123 = arith.constant 0 : i32
      %dma_start3A_124 = tpu.memref_slice %arg3[%add3A_118, %dma_start3A_123] : memref<64x8192xf32, #tpu.memory_space<hbm>> -> memref<1x8192xf32, #tpu.memory_space<hbm>>
      %dma_start3A_125 = tpu.memref_squeeze %dma_start3A_124 : memref<1x8192xf32, #tpu.memory_space<hbm>> -> memref<8192xf32, #tpu.memory_space<hbm>>
      %dma_start3A_126 = tpu.memref_slice %arg4[%mul3A_60] : memref<16384xf32, #tpu.memory_space<vmem>> -> memref<8192xf32, #tpu.memory_space<vmem>>
      tpu.enqueue_dma source(%dma_start3A_126 : memref<8192xf32, #tpu.memory_space<vmem>>) target(%dma_start3A_125 : memref<8192xf32, #tpu.memory_space<hbm>>) target_semaphore(%arg8 : memref<!tpu.dma_semaphore, #tpu.memory_space<semaphore_mem>>)
      %scan3A_127 = arith.constant 0 : i32
      scf.yield %scan3A_127 : i32
    }
    %scan3A_33 = arith.constant 2 : i32
    %add3A_34 = arith.constant 0 : i32
    %add3A_35 = arith.addi %mul3A_2, %add3A_34 : i32
    %dma_wait3A = arith.constant 0 : i32
    %dma_wait3A_36 = tpu.memref_slice %arg4[%dma_wait3A] : memref<16384xf32, #tpu.memory_space<vmem>> -> memref<8192xf32, #tpu.memory_space<vmem>>
    %dma_wait3A_37 = arith.constant 0 : i32
    %dma_wait3A_38 = tpu.memref_slice %arg3[%add3A_35, %dma_wait3A_37] : memref<64x8192xf32, #tpu.memory_space<hbm>> -> memref<1x8192xf32, #tpu.memory_space<hbm>>
    %dma_wait3A_39 = tpu.memref_squeeze %dma_wait3A_38 : memref<1x8192xf32, #tpu.memory_space<hbm>> -> memref<8192xf32, #tpu.memory_space<hbm>>
    %dma_wait3A_40 = arith.constant 0 : i32
    %dma_wait3A_41 = tpu.memref_slice %arg3[%add3A_35, %dma_wait3A_40] : memref<64x8192xf32, #tpu.memory_space<hbm>> -> memref<1x8192xf32, #tpu.memory_space<hbm>>
    %dma_wait3A_42 = tpu.memref_squeeze %dma_wait3A_41 : memref<1x8192xf32, #tpu.memory_space<hbm>> -> memref<8192xf32, #tpu.memory_space<hbm>>
    %dma_wait3A_43 = arith.constant 0 : i32
    %dma_wait3A_44 = tpu.memref_slice %arg4[%dma_wait3A_43] : memref<16384xf32, #tpu.memory_space<vmem>> -> memref<8192xf32, #tpu.memory_space<vmem>>
    tpu.wait_dma2 semaphore(%arg8 : memref<!tpu.dma_semaphore, #tpu.memory_space<semaphore_mem>>) src(%dma_wait3A_44 : memref<8192xf32, #tpu.memory_space<vmem>>) dst(%dma_wait3A_42 : memref<8192xf32, #tpu.memory_space<hbm>>)
    %add3A_45 = arith.constant 1 : i32
    %add3A_46 = arith.addi %mul3A_2, %add3A_45 : i32
    %dma_wait3A_47 = arith.constant 8192 : i32
    %dma_wait3A_48 = tpu.memref_slice %arg4[%dma_wait3A_47] : memref<16384xf32, #tpu.memory_space<vmem>> -> memref<8192xf32, #tpu.memory_space<vmem>>
    %dma_wait3A_49 = arith.constant 0 : i32
    %dma_wait3A_50 = tpu.memref_slice %arg3[%add3A_46, %dma_wait3A_49] : memref<64x8192xf32, #tpu.memory_space<hbm>> -> memref<1x8192xf32, #tpu.memory_space<hbm>>
    %dma_wait3A_51 = tpu.memref_squeeze %dma_wait3A_50 : memref<1x8192xf32, #tpu.memory_space<hbm>> -> memref<8192xf32, #tpu.memory_space<hbm>>
    %dma_wait3A_52 = arith.constant 0 : i32
    %dma_wait3A_53 = tpu.memref_slice %arg3[%add3A_46, %dma_wait3A_52] : memref<64x8192xf32, #tpu.memory_space<hbm>> -> memref<1x8192xf32, #tpu.memory_space<hbm>>
    %dma_wait3A_54 = tpu.memref_squeeze %dma_wait3A_53 : memref<1x8192xf32, #tpu.memory_space<hbm>> -> memref<8192xf32, #tpu.memory_space<hbm>>
    %dma_wait3A_55 = arith.constant 8192 : i32
    %dma_wait3A_56 = tpu.memref_slice %arg4[%dma_wait3A_55] : memref<16384xf32, #tpu.memory_space<vmem>> -> memref<8192xf32, #tpu.memory_space<vmem>>
    tpu.wait_dma2 semaphore(%arg8 : memref<!tpu.dma_semaphore, #tpu.memory_space<semaphore_mem>>) src(%dma_wait3A_56 : memref<8192xf32, #tpu.memory_space<vmem>>) dst(%dma_wait3A_54 : memref<8192xf32, #tpu.memory_space<hbm>>)
    return
  }
}

</mosaic_0001>

<sc_bundles>
// kernel: kernel.3.cloned.1.call-start
scs
__scs_entry_jumppad:
0x0: {  	(pc) =	sbr.rel $0x88, $3  }
0x1: {  	(tag) =	ssettag $0x0;
	lr =	simm.s32 $0x1  }
0x2: {  	[smem:$0x3FA0] =	sst lr;
	_ =	strace $0xD0000000  }
0x3: {  	_ = 	snop  }
0x4: {  	_ = 	snop  }
0x5: {  	_ = 	snop  }
0x6: {  	_ = 	snop  }
0x7: {  	_ = 	snop  }
__scs_overlays_trampoline_lowered:
0x8: {  	[smem:$0x3FAF] =	sst s0  }
0x9: {  	[smem:$0x3FB0] =	sst s1  }
0xa: {  	[smem:$0x3FB1] =	sst s2  }
0xb: {  	[smem:$0x3FB2] =	sst s3  }
0xc: {  	[smem:$0x3FB3] =	sst s4  }
0xd: {  	[smem:$0x3FB4] =	sst s5  }
0xe: {  	[smem:$0x3FB5] =	sst s6  }
0xf: {  	[smem:$0x3FB6] =	sst s7  }
0x10: {  	[smem:$0x3FB7] =	sst s8  }
0x11: {  	[smem:$0x3FB8] =	sst s9;
	s0 =	simm.s32 @!p0 $0x0  }
0x12: {  	s1 =	sld [smem:$0x3F9E];
	s0 =	simm.s32 @p0 $0x1  }
0x13: {  	[smem:$0x3FB9] =	sst s0;
	s0 =	simm.s32 @!p1 $0x0  }
0x14: {  	s2 =	sld [smem:$0x3F9D];
	s0 =	simm.s32 @p1 $0x1  }
0x15: {  	[smem:$0x3FBA] =	sst s0;
	s0 =	simm.s32 @!p2 $0x0  }
0x16: {  	s3 =	sld [smem:$0x3FDB];
	s0 =	simm.s32 @p2 $0x1  }
0x17: {  	s4 =	simm.s32 $0x1BF5;
	[smem:$0x3FBC] =	sst s0  }
0x18: {  	s0 =	sld [smem:$0x3F9F];
	_ =	swait.ge [sflag:s4], $0x0  }
0x19: {  	s7 =	sld [smem:$0x3FA0]  }
0x1a: {  	s8 =	sadd.s32 $0xFFFFE003, lr  }
0x1b: {  	s9 =	sadd.s32 $0xFFFFFEF7, lr;
	s5 =	simm.s32 $0xFFFFFFFF;
	p2 =	slt.u32 s8, $0xFFFFF086  }
0x1c: {  	p1 =	slt.u32 s9, $0xF7A;
	s5 =	simm.s32 @!p2 $0x0  }
0x1d: {  	s5 =	simm.s32 @p1 $0x1;
	p0 =	seq.s32 s7, s2  }
0x1e: {  	s7 =	smul.u32 @!p0 $0xF7A, s2;
	p2 =	seq.s32 @!p0 s5, $0x0  }
0x1f: {  	s9 =	smul.u32 $0xF7A, s1;
	s8 =	simm.s32 @!p0 $0x1BF5;
	p2 =	por !p2, p0  }
0x20: {  	[sflag:s8] =	ssyncset.s32 @!p0 $0xFFFFF086;
	s6 =	sadd.s32 @!p0 s3, s7;
	s7 =	simm.s32 @!p0 $0x108  }
0x21: {  	s3 =	sadd.s32 s3, s9;
	s6 =	sadd.s32 @!p0 $0x88, s6;
	s7 =	simm.s32 @p2 $0x1082  }
0x22: {  	[simem:s7], [sflag:s8] =	dma.local @!p0 [hbm:s6], $0xF7A  }
0x23: {  	s9 =	sor.u32 $0xD0000000, s2;
	s6 =	simm.s32 $0x108;
	_ =	swait.ge @!p0 [sflag:s8], $0x0  }
0x24: {  	s3 =	sadd.s32 $0x88, s3;
	s6 =	simm.s32 @!p1 $0x1082;
	[sflag:s4] =	ssyncset.s32 $0xFFFFF086  }
0x25: {  	[simem:s6], [sflag:s4] =	dma.local [hbm:s3], $0xF7A  }
0x26: {  	[smem:$0x3FA0] =	sst s1;
	(tag) =	ssettag s2;
	_ =	strace s9  }
0x27: {  	s1 =	sld [smem:$0x3FB0]  }
0x28: {  	s2 =	sld [smem:$0x3FB1]  }
0x29: {  	s4 =	sld [smem:$0x3FB3]  }
0x2a: {  	p0 =	seq.s32 s5, $0x0;
	s5 =	sld [smem:$0x3FB4]  }
0x2b: {  	s6 =	sld [smem:$0x3FB5]  }
0x2c: {  	s7 =	sld [smem:$0x3FB6]  }
0x2d: {  	s3 =	simm.s32 $0x108;
	s8 =	sld [smem:$0x3FB7]  }
0x2e: {  	s3 =	simm.s32 @!p0 $0x1082;
	s9 =	sld [smem:$0x3FB8]  }
0x2f: {  	lr =	sadd.s32 s0, s3;
	s0 =	sld [smem:$0x3FAF]  }
0x30: {  	s3 =	sld [smem:$0x3FB2]  }
0x31: {  	[smem:$0x3FBB] =	sst s10  }
0x32: {  	s10 =	sld [smem:$0x3FB9];
	_ =	sdelay $0x3  }
0x33: {  	p0 =	seq.s32 s10, $0x1;
	s10 =	sld [smem:$0x3FBB];
	_ =	sdelay $0x3  }
0x34: {  	[smem:$0x3FBB] =	sst s10  }
0x35: {  	s10 =	sld [smem:$0x3FBA];
	_ =	sdelay $0x3  }
0x36: {  	p1 =	seq.s32 s10, $0x1;
	s10 =	sld [smem:$0x3FBB];
	_ =	sdelay $0x3  }
0x37: {  	[smem:$0x3FBB] =	sst s10  }
0x38: {  	s10 =	sld [smem:$0x3FBC]  }
0x39: {  	_ = 	snop;
	(pc) =	sbr.ind lr, $3  }
0x3a: {  	_ = 	snop  }
0x3b: {  	_ = 	snop  }
0x3c: {  	p2 =	seq.s32 s10, $0x1;
	s10 =	sld [smem:$0x3FBB]  }
0x3d: {  	_ =	shalt  }
0x3e: {  	_ =	shalt  }
0x3f: {  	_ =	shalt  }
0x40: {  	_ =	shalt  }
0x41: {  	_ =	shalt  }
0x42: {  	_ =	shalt  }
0x43: {  	_ =	shalt  }
0x44: {  	_ =	shalt  }
0x45: {  	_ =	shalt  }
0x46: {  	_ =	shalt  }
0x47: {  	_ =	shalt  }
0x48: {  	_ =	shalt  }
0x49: {  	_ =	shalt  }
0x4a: {  	_ =	shalt  }
0x4b: {  	_ =	shalt  }
0x4c: {  	_ =	shalt  }
0x4d: {  	_ =	shalt  }
0x4e: {  	_ =	shalt  }
0x4f: {  	_ =	shalt  }
0x50: {  	_ =	shalt  }
0x51: {  	_ =	shalt  }
0x52: {  	_ =	shalt  }
0x53: {  	_ =	shalt  }
0x54: {  	_ =	shalt  }
0x55: {  	_ =	shalt  }
0x56: {  	_ =	shalt  }
0x57: {  	_ =	shalt  }
0x58: {  	_ =	shalt  }
0x59: {  	_ =	shalt  }
0x5a: {  	_ =	shalt  }
0x5b: {  	_ =	shalt  }
0x5c: {  	_ =	shalt  }
0x5d: {  	_ =	shalt  }
0x5e: {  	_ =	shalt  }
0x5f: {  	_ =	shalt  }
0x60: {  	_ =	shalt  }
0x61: {  	_ =	shalt  }
0x62: {  	_ =	shalt  }
0x63: {  	_ =	shalt  }
0x64: {  	_ =	shalt  }
0x65: {  	_ =	shalt  }
0x66: {  	_ =	shalt  }
0x67: {  	_ =	shalt  }
0x68: {  	_ =	shalt  }
0x69: {  	_ =	shalt  }
0x6a: {  	_ =	shalt  }
0x6b: {  	_ =	shalt  }
0x6c: {  	_ =	shalt  }
0x6d: {  	_ =	shalt  }
0x6e: {  	_ =	shalt  }
0x6f: {  	_ =	shalt  }
0x70: {  	_ =	shalt  }
0x71: {  	_ =	shalt  }
0x72: {  	_ =	shalt  }
0x73: {  	_ =	shalt  }
0x74: {  	_ =	shalt  }
0x75: {  	_ =	shalt  }
0x76: {  	_ =	shalt  }
0x77: {  	_ =	shalt  }
0x78: {  	_ =	shalt  }
0x79: {  	_ =	shalt  }
0x7a: {  	_ =	shalt  }
0x7b: {  	_ =	shalt  }
0x7c: {  	_ =	shalt  }
0x7d: {  	_ =	shalt  }
0x7e: {  	_ =	shalt  }
0x7f: {  	_ =	shalt  }
0x80: {  	_ =	shalt  }
0x81: {  	_ =	shalt  }
0x82: {  	_ =	shalt  }
0x83: {  	_ =	shalt  }
0x84: {  	_ =	shalt  }
0x85: {  	_ =	shalt  }
0x86: {  	_ =	shalt  }
0x87: {  	_ =	shalt  }
.Lfunc_end0:
.L_simem_size_0:
called_computation_lowered:
.L_overlay_start_0:
0x88: {  	s2 =	sld [smem:$0x3FD9]  }
0x89: {  	s3 =	sld [smem:$0x3FFE];
	_ =	sdelay $0x1  }
0x8a: {  	s1 =	srdreg.scid  }
0x8b: {  	s0 =	sand.u32 $0x1, s1  }
0x8c: {  	s18 =	sshll.u32 s0, $0xA;
	s2 =	sadd.s32 s3, s2  }
0x8d: {  	s2 =	sadd.s32 s2, s18  }
0x8e: {  	[smem:$0x3FC7] =	sst s2  }
0x8f: {  	_ = 	snop  }
0x90: {  	s2 =	sld [smem:$0x3FC9]  }
0x91: {  	s19 =	sld [smem:$0x3FD0];
	(tm) =	ssettm $0x1  }
0x92: {  	s4 =	sld [smem:$0x3FFB];
	_ =	sdelay $0x3  }
0x93: {  	_ =	strace s4  }
0x94: {  	s4 =	sld [smem:$0x3FFC];
	_ =	sdelay $0x3  }
0x95: {  	_ =	strace s4  }
0x96: {  	s4 =	sld [smem:$0x3FFD];
	_ =	sdelay $0x3  }
0x97: {  	_ =	strace s4  }
0x98: {  	_ =	strace $0x8FFFFFFF  }
0x99: {  	s20 =	sld [smem:$0x3FDB];
	_ =	sdelay $0x1  }
0x9a: {  	s5 =	simm.s32 $_scs_section_size  }
0x9b: {  	s6 =	simm.s32 $_size__tile_overlayer_lowered;
	s7 =	simm.s32 $_tile_overlayer_lowered  }
0x9c: {  	s23 =	simm.s32 $0x1BFF;
	s22 =	sshll.u32 s7, $0x1;
	s4 =	sadd.s32 s5, s20  }
0x9d: {  	s8 =	simm.s32 $0x0;
	s21 =	sshll.u32 s6, $0x1;
	s6 =	sadd.s32 s22, s4  }
0x9e: {  	[timem:s8], [sflag:s23] =	dma.local [hbm:s6], s21  }
0x9f: {  	_ =	swait.ge [sflag:s23], s21  }
0xa0: {  	s5 =	ssub.s32 $0x0, s21;
	[sflag:s23] =	ssyncset.done $0x0  }
0xa1: {  	[sflag:s23] =	ssyncadd.s32 s5;
	_ =	sdelay $0x1  }
0xa2: {  	s24 =	simm.s32 $0x1B8B  }
0xa3: {  	_ =	swait.ge [sflag:s24], $0x1  }
0xa4: {  	[sflag:s24] =	ssyncset.done $0x0  }
0xa5: {  	s25 =	simm.s32 $0x1B8E;
	[sflag:s24] =	ssyncadd.s32 $0xFFFFFFFF  }
0xa6: {  	s26 =	simm.s32 $execute0_lowered;
	[smem:$0x3FD2] =	sst s25  }
0xa7: {  	s5 =	sshll.u32 s26, $0x1;
	_ =	strace $0x80000046;
	[dreg:$0x1] =	wrdreg $0xFFFFFFFF  }
0xa8: {  	s28 =	simm.s32 $_size_execute0_lowered;
	s4 =	sadd.s32 s4, s5;
	[dreg:$0x0] =	wrdreg $0x0  }
0xa9: {  	s5 =	sshll.u32 s28, $0x1;
	[dreg:$0x2] =	wrdreg s4  }
0xaa: {  	[dreg:$0x3] =	wrdreg s5  }
0xab: {  	[dreg:$0x4] =	wrdreg $0xC0  }
0xac: {  	_ =	task [dreg:s8], $0x5FFFF  }
0xad: {  	[dreg:$0x1] =	wrdreg $0xFFFFFFFF  }
0xae: {  	[dreg:$0x0] =	wrdreg $0x60  }
0xaf: {  	[dreg:$0x2] =	wrdreg s2  }
0xb0: {  	[dreg:$0x3] =	wrdreg s19  }
0xb1: {  	[dreg:$0x4] =	wrdreg $0x9  }
0xb2: {  	_ =	task.clear_ibuf [dreg:s8], $0x5FFFF;
	_ =	strace $0x90000046  }
0xb3: {  	s29 =	simm.s32 $0x9;
	_ =	strace $0x80000048  }
0xb4: {  	_ =	swait.ge [sflag:s29], $0x1  }
0xb5: {  	[sflag:s29] =	ssyncadd.s32 $0xFFFFFFFF  }
0xb6: {  	_ =	strace $0x90000048  }
0xb7: {  	_ =	sfence  }
0xb8: {  	s30 =	sld [smem:$0x0];
	_ =	sdelay $0x2  }
0xb9: {  	s31 =	sshll.u32 s1, $0xD;
	s1 =	sshrl.u32 s1, $0x2  }
0xba: {  	s3 =	sand.u32 $0x4000, s31;
	s1 =	sadd.s32 s1, s30  }
0xbb: {  	s0 =	sor.u32 s3, s0;
	s1 =	sshll.u32 s1, $0x11  }
0xbc: {  	s0 =	sor.u32 s1, s0  }
0xbd: {  	s0 =	sadd.s32 $0x8F2B, s0  }
0xbe: {  	[sflag:s0] =	ssyncadd.remote.s32 $0x1  }
0xbf: {  	_ =	sfence.sel $0xFFFF  }
0xc0: {  	[dreg:$0x0] =	wrdreg $0xFFFFFFFF;
	(pc) =	sbr.abs _section_cstart, $3  }
0xc1: {  	[dreg:$0x1] =	wrdreg $0xFFFFFFFF  }
0xc2: {  	_ =	task.clear_ibuf [dreg:s8], $0x2FFFF;
	_ =	strace $0x9FFFFFFF  }
0xc3: {  	(tm) =	ssettm $0x7FFFFFFF  }
tec
execute0_lowered:
.L_overlay_start_1:
0x0: {  	(tag) =	ssettag $0x1  }
0x1: {  	s1 =	srdreg.scid  }
0x2: {  	s4 =	rddreg [dreg:$0x0];
	s0 =	stileid.u32  }
0x3: {  	s6 =	rddreg [dreg:$0x1];
	s28 =	simm.s32 $0x0;
	s11 =	simm.s32 $0x1  }
0x4: {  	s12 =	simm.s32 $0x2;
	s13 =	simm.s32 $0xFFFFFFFF;
	s5 =	sand.u32 $0x1, s1  }
0x5: {  	s14 =	simm.s32 $0x8000;
	s2 =	sshll.u32 s0, $0x2;
	s3 =	sshll.u32 s5, $0x1  }
0x6: {  	s15 =	simm.s32 $0x0;
	s7 =	sshll.u32 s0, $0xC;
	s2 =	sor.u32 s3, s2  }
0x7: {  	[smem:$0x7FF] =	sst s28;
	s5 =	ssub.s32 $0x2, s5;
	s8 =	sshll.u32 s2, $0x4  }
.Ltmp0:
0x8: {  	s9 =	sshrl.u32 s5, $0x1;
	s8 =	sor.u32 s7, s8;
	(pc) =	sbr.rel .LBB2_1-.Ltmp0, $4  }
0x9: {  	_ =	strace $0x80000047;
	s29 =	ssub.s32 s5, s9;
	s8 =	sand.u32 $0xE060, s8  }
0xa: {  	s9 =	simm.s32 $0x400;
	s31 =	smax.u32 s29, $0x1;
	s4 =	sadd.s32 s4, s8  }
0xb: {  	s7 =	sand.u32 $0xE000, s7;
	[dreg:$0x4] =	wrdreg s31;
	s30 =	sadd.s32 $0x10, s4  }
0xc: {  	v0 =	vimm.s32 $0x0;
	v1 =	vimm.s32 $0x1;
	v2 =	vlaneseq.u32;
	s6 =	sadd.s32 s6, s7;
	s8 =	simm.s32 $0x80;
	[dreg:$0x3] =	wrdreg s30  }
.LBB2_19:
0xd: {  	_ =	swait.ge [sflag:s12], $0x2000  }
0xe: {  	[sflag:s12] =	ssyncset.done $0x0  }
0xf: {  	[sflag:s12] =	ssyncadd.s32 $0xFFFFE000  }
0x10: {  	_ =	swait.ge [sflag:s12], $0x2000  }
0x11: {  	s15 =	sadd.s32 $0x1, s15;
	s0 =	rddreg [dreg:$0x4]  }
0x12: {  	p0 =	sne.s32 s15, s0  }
.Ltmp1:
0x13: {  	_ = 	snop;
	(pc) =	sbr.rel @!p0 .LBB2_20-.Ltmp1, $3  }
0x14: {  	_ =	sdelay $0x1  }
0x15: {  	[sflag:s12] =	ssyncset.done $0x0  }
0x16: {  	[sflag:s12] =	ssyncadd.s32 $0xFFFFE000  }
.LBB2_1:
.Ltmp2:
0x17: {  	(pc) =	sbr.rel .LBB2_2-.Ltmp2, $4  }
0x18: {  	s0 =	simm.s32 $0x0;
	s31 =	rddreg [dreg:$0x3]  }
0x19: {  	[tilespmem:s0], [sflag:$0x1] =	stream.strided.gather [hbm4b:s4+s8], $0x2000, s9, s8, $0x38;
	[tilespmem:$0x8100] =	vst v63  }
0x1a: {  	s1 =	simm.s32 $0x2000;
	p1 =	por $0x1, $0x1;
	s16 =	simm.s32 $0x0  }
0x1b: {  	[tilespmem:s1], [sflag:$0x1] =	stream.strided.gather [hbm4b:s31+s8], $0x2000, s9, s8, $0x38;
	[tilespmem:$0x8100] =	vst v63  }
.LBB2_18:
.Ltmp3:
0x1c: {  	s0 =	sor.u32 s2, s16;
	(pc) =	sbr.rel @!p0 .LBB2_19-.Ltmp3, $4  }
0x1d: {  	s0 =	sshll.u32 s0, $0x4  }
0x1e: {  	s0 =	sand.u32 $0x70, s0  }
0x1f: {  	s16 =	simm.s32 $0x1;
	p1 =	por $0x0, $0x0;
	s0 =	sadd.s32 s0, s6  }
0x20: {  	[hbm4b:s0+s8] =	stream.strided.scatter [tilespmem:s17], [sflag:$0x2], $0x2000, s9, s8, $0x38;
	[tilespmem:$0x8100] =	vst v63  }
.LBB2_2:
0x21: {  	_ =	swait.ge [sflag:s11], $0x2000  }
0x22: {  	[sflag:s11] =	ssyncset.done $0x0  }
0x23: {  	[sflag:s11] =	ssyncadd.s32 $0xFFFFE000  }
0x24: {  	[tilespmem:$0x8000] =	vst v0  }
0x25: {  	[tilespmem:$0x8010] =	vst v0  }
0x26: {  	[tilespmem:$0x8020] =	vst v0  }
0x27: {  	[tilespmem:$0x8030] =	vst v0  }
0x28: {  	[tilespmem:$0x8040] =	vst v0  }
0x29: {  	[tilespmem:$0x8050] =	vst v0  }
0x2a: {  	[tilespmem:$0x8060] =	vst v0  }
0x2b: {  	[tilespmem:$0x8070] =	vst v0  }
0x2c: {  	[tilespmem:$0x8080] =	vst v0  }
0x2d: {  	[tilespmem:$0x8090] =	vst v0  }
0x2e: {  	[tilespmem:$0x80A0] =	vst v0  }
0x2f: {  	[tilespmem:$0x80B0] =	vst v0  }
0x30: {  	[tilespmem:$0x80C0] =	vst v0  }
0x31: {  	s17 =	sshll.u32 s16, $0xF;
	[tilespmem:$0x80D0] =	vst v0  }
0x32: {  	s17 =	sshra.s32 s17, $0x2;
	[tilespmem:$0x80E0] =	vst v0  }
0x33: {  	s18 =	sor.u32 $0x80, s17;
	[tilespmem:$0x80F0] =	vst v0  }
0x34: {  	v3 =	vld [tilespmem:s18+$0x10]  }
0x35: {  	v12 =	vld [tilespmem:s18+$0xFFFFFFE0]  }
0x36: {  	v13 =	vld [tilespmem:s18+$0xFFFFFFF0]  }
0x37: {  	v4 =	vld [tilespmem:s18+$0xFFFFFFC0]  }
0x38: {  	v8 =	vld [tilespmem:s18+$0x30]  }
0x39: {  	v10 =	vld [tilespmem:s18+$0xFFFFFFA0]  }
0x3a: {  	v5 =	vld [tilespmem:s18+$0xFFFFFFB0]  }
0x3b: {  	v9 =	vld [tilespmem:s18+$0x20]  }
0x3c: {  	v7 =	vld [tilespmem:s18+$0xFFFFFFD0];
	v6 =	vshra.s32 v3, $0x1F;
	v14 =	vshra.s32 v12, $0x1F  }
0x3d: {  	v15 =	vshra.s32 v13, $0x1F;
	v16 =	vshra.s32 v8, $0x1F;
	v25 =	vshra.s32 v4, $0x1F  }
0x3e: {  	v19 =	vshra.s32 v10, $0x1F;
	v6 =	vand.u32 $0x7FFFFFFF, v6;
	v24 =	vand.u32 $0x7FFFFFFF, v14  }
0x3f: {  	v18 =	vld [tilespmem:s18+$0xFFFFFF90];
	v14 =	vshra.s32 v5, $0x1F;
	v16 =	vand.u32 $0x7FFFFFFF, v16;
	v26 =	vand.u32 $0x7FFFFFFF, v15  }
0x40: {  	v6 =	vxor.u32 v3, v6;
	v3 =	vshra.s32 v9, $0x1F;
	v14 =	vand.u32 $0x7FFFFFFF, v14  }
0x41: {  	v16 =	vxor.u32 v8, v16;
	v17 =	vand.u32 $0x7FFFFFFF, v3;
	v3 =	vshra.s32 v7, $0x1F  }
0x42: {  	v12 =	vxor.u32 v12, v24;
	v20 =	vand.u32 $0x7FFFFFFF, v3;
	v3 =	vand.u32 $0x7FFFFFFF, v19  }
0x43: {  	v13 =	vxor.u32 v13, v26;
	v23 =	vxor.u32 v5, v14;
	v19 =	vxor.u32 v10, v3  }
0x44: {  	v22 =	vshra.s32 v16, $0x18;
	v3 =	vshra.s32 v18, $0x1F;
	v10 =	vld [tilespmem:s18+$0xFFFFFF80];
	v14 =	vshra.s32 v19, $0x18  }
0x45: {  	v5 =	vshra.s32 v23, $0x18;
	v15 =	vand.u32 $0x7FFFFFFF, v3;
	v3 =	vsub.s32 $0x7F, v14;
	v14 =	vld [tilespmem:s18+$0x50]  }
0x46: {  	s19 =	sadd.s32 $0x4080, s17;
	v11 =	vshra.s32 v6, $0x18;
	v22 =	vsub.s32 $0x7F, v22;
	v8 =	vsub.s32 $0x7F, v5;
	v5 =	vld [tilespmem:s18+$0x60]  }
0x47: {  	s20 =	simm.s32 $0x8000;
	s24 =	simm.s32 $0x0;
	p0 =	por p1, p1;
	[tilespmem:s19+$0xFFFFFFB0] =	vst v23;
	v21 =	vxor.u32 v18, v15;
	v18 =	vxor.u32 v7, v20;
	v7 =	vld [tilespmem:s18+$0x0];
	v20 =	vxor.u32 v9, v17  }
0x48: {  	s21 =	simm.s32 $0x80000000;
	s22 =	simm.s32 $0x8000;
	s17 =	sshll.u32 s16, $0xD;
	[tilespmem:s19+$0xFFFFFFA0] =	vst v19;
	v17 =	vld [tilespmem:s18+$0x70];
	v15 =	vshra.s32 v21, $0x18;
	v27 =	vshra.s32 v18, $0x18;
	v23 =	vshra.s32 v20, $0x18  }
0x49: {  	s25 =	sadd.s32 $0x100, s18;
	s23 =	smov.u32 s19;
	s26 =	smov.u32 s19;
	[tilespmem:s19+$0xFFFFFFD0] =	vst v18;
	v18 =	vld [tilespmem:s18+$0x40];
	v19 =	vsub.s32 $0x7F, v15;
	v9 =	vsub.s32 $0x7F, v27;
	v15 =	vand.u32 $0x7FFFFFFF, v25  }
.LBB2_3:
0x4a: {  	v24 =	vld [tilespmem:s25+$0x10];
	s24 =	sadd.s32 $0x10, s24;
	v25 =	vshra.s32 v10, $0x1F;
	v23 =	vsub.s32 $0x7F, v23;
	[tilespmem:s23+$0x30] =	vst v16;
	v16 =	vshra.s32 v14, $0x1F;
	s26 =	sadd.s32 $0x100, s26  }
0x4b: {  	v11 =	vsub.s32 $0x7F, v11;
	p1 =	slt.u32 s24, $0x1F0;
	v25 =	vand.u32 $0x7FFFFFFF, v25;
	[tilespmem:v22+s22+$0x0] =	vst.idx.add.s32.msk $0xffff, v1;
	v22 =	vshra.s32 v5, $0x1F  }
0x4c: {  	v16 =	vand.u32 $0x7FFFFFFF, v16;
	v26 =	vld [tilespmem:s25+$0xFFFFFF90];
	v25 =	vxor.u32 v10, v25;
	[tilespmem:s23+$0xFFFFFF90] =	vst v21;
	v10 =	vshra.s32 v12, $0x18  }
0x4d: {  	v14 =	vxor.u32 v14, v16;
	v21 =	vld [tilespmem:s25+$0xFFFFFFA0];
	[tilespmem:s23+$0xFFFFFF80] =	vst v25;
	v27 =	vsub.s32 $0x7F, v10;
	v10 =	vshra.s32 v17, $0x1F  }
0x4e: {  	v16 =	vld [tilespmem:s25+$0x60];
	[tilespmem:s23+$0x20] =	vst v20;
	v20 =	vshra.s32 v18, $0x1F;
	v28 =	vand.u32 $0x7FFFFFFF, v10  }
0x4f: {  	v10 =	vld [tilespmem:s25+$0xFFFFFF80];
	v20 =	vand.u32 $0x7FFFFFFF, v20;
	[tilespmem:s23+$0x50] =	vst v14;
	v14 =	vshra.s32 v14, $0x18;
	v17 =	vxor.u32 v17, v28  }
0x50: {  	[tilespmem:v19+s22+$0x0] =	vst.idx.add.s32.msk $0xffff, v1;
	v18 =	vxor.u32 v18, v20;
	v19 =	vand.u32 $0x7FFFFFFF, v22;
	v20 =	vshra.s32 v17, $0x18  }
0x51: {  	v22 =	vshra.s32 v25, $0x18;
	v14 =	vsub.s32 $0x7F, v14;
	v28 =	vld [tilespmem:s25+$0x20];
	[tilespmem:s23+$0x10] =	vst v6;
	v6 =	vshra.s32 v18, $0x18  }
0x52: {  	v22 =	vsub.s32 $0x7F, v22;
	[tilespmem:v23+s22+$0x0] =	vst.idx.add.s32.msk $0xffff, v1;
	v23 =	vsub.s32 $0x7F, v6;
	v6 =	vxor.u32 v5, v19  }
0x53: {  	v19 =	vshra.s32 v24, $0x1F;
	[tilespmem:v11+s22+$0x0] =	vst.idx.add.s32.msk $0xffff, v1;
	v11 =	vshra.s32 v6, $0x18;
	v5 =	vmov v16  }
0x54: {  	v15 =	vxor.u32 v4, v15;
	v20 =	vsub.s32 $0x7F, v20;
	v16 =	vld [tilespmem:s25+$0xFFFFFFB0];
	[tilespmem:s23+$0x60] =	vst v6;
	v25 =	vsub.s32 $0x7F, v11  }
0x55: {  	v6 =	vand.u32 $0x7FFFFFFF, v19;
	v29 =	vld [tilespmem:s25+$0xFFFFFFD0];
	[tilespmem:s23+$0x70] =	vst v17  }
0x56: {  	v6 =	vxor.u32 v24, v6;
	v4 =	vld [tilespmem:s25+$0xFFFFFFC0];
	[tilespmem:s23+$0xFFFFFFC0] =	vst v15  }
0x57: {  	v11 =	vshra.s32 v6, $0x18;
	v24 =	vld [tilespmem:s25+$0xFFFFFFE0];
	[tilespmem:s23+$0x40] =	vst v18  }
0x58: {  	v15 =	vshra.s32 v15, $0x18;
	v18 =	vld [tilespmem:s25+$0xFFFFFFF0];
	[tilespmem:s23+$0xFFFFFFF0] =	vst v13  }
0x59: {  	v15 =	vsub.s32 $0x7F, v15;
	v17 =	vld [tilespmem:s25+$0x30];
	[tilespmem:s23+$0xFFFFFFE0] =	vst v12;
	v12 =	vshra.s32 v13, $0x18  }
0x5a: {  	v12 =	vsub.s32 $0x7F, v12;
	[tilespmem:v14+s22+$0x0] =	vst.idx.add.s32.msk $0xffff, v1  }
0x5b: {  	[tilespmem:v8+s22+$0x0] =	vst.idx.add.s32.msk $0xffff, v1;
	v8 =	vshra.s32 v7, $0x1F  }
0x5c: {  	v14 =	vshra.s32 v28, $0x1F;
	v13 =	vshra.s32 v24, $0x1F;
	[tilespmem:v25+s22+$0x0] =	vst.idx.add.s32.msk $0xffff, v1  }
0x5d: {  	v25 =	vand.u32 $0x7FFFFFFF, v14;
	v8 =	vand.u32 $0x7FFFFFFF, v8;
	v19 =	vshra.s32 v18, $0x1F;
	[tilespmem:v22+s22+$0x0] =	vst.idx.add.s32.msk $0xffff, v1  }
0x5e: {  	v14 =	vshra.s32 v29, $0x1F;
	v13 =	vand.u32 $0x7FFFFFFF, v13;
	v22 =	vshra.s32 v17, $0x1F;
	[tilespmem:v20+s22+$0x0] =	vst.idx.add.s32.msk $0xffff, v1  }
0x5f: {  	v30 =	vshra.s32 v4, $0x1F;
	v20 =	vshra.s32 v16, $0x1F;
	v22 =	vand.u32 $0x7FFFFFFF, v22;
	[tilespmem:v12+s22+$0x0] =	vst.idx.add.s32.msk $0xffff, v1  }
0x60: {  	v7 =	vxor.u32 v7, v8;
	v12 =	vshra.s32 v21, $0x1F;
	v20 =	vand.u32 $0x7FFFFFFF, v20;
	[tilespmem:v27+s22+$0x0] =	vst.idx.add.s32.msk $0xffff, v1  }
0x61: {  	v20 =	vxor.u32 v16, v20;
	v27 =	vand.u32 $0x7FFFFFFF, v14;
	v16 =	vxor.u32 v17, v22;
	v14 =	vld [tilespmem:s25+$0x50];
	[tilespmem:s23+$0x0] =	vst v7;
	s23 =	smov.u32 s26  }
0x62: {  	v8 =	vand.u32 $0x7FFFFFFF, v12;
	v12 =	vshra.s32 v20, $0x18;
	v7 =	vshra.s32 v7, $0x18;
	[tilespmem:v9+s22+$0x0] =	vst.idx.add.s32.msk $0xffff, v1  }
0x63: {  	v9 =	vxor.u32 v21, v8;
	v8 =	vsub.s32 $0x7F, v12;
	v12 =	vsub.s32 $0x7F, v7;
	[tilespmem:v23+s22+$0x0] =	vst.idx.add.s32.msk $0xffff, v1  }
0x64: {  	v31 =	vand.u32 $0x7FFFFFFF, v19;
	v7 =	vshra.s32 v26, $0x1F;
	v17 =	vshra.s32 v9, $0x18;
	[tilespmem:v3+s22+$0x0] =	vst.idx.add.s32.msk $0xffff, v1  }
.Ltmp4:
0x65: {  	v7 =	vand.u32 $0x7FFFFFFF, v7;
	v3 =	vsub.s32 $0x7F, v17;
	v17 =	vshra.s32 v16, $0x18;
	[tilespmem:v15+s22+$0x0] =	vst.idx.add.s32.msk $0xffff, v1;
	(pc) =	sbr.rel @p1 .LBB2_3-.Ltmp4, $4  }
0x66: {  	v21 =	vxor.u32 v26, v7;
	v26 =	vxor.u32 v29, v27;
	v22 =	vsub.s32 $0x7F, v17;
	[tilespmem:s26+$0xFFFFFFA0] =	vst v9;
	v7 =	vld [tilespmem:s25+$0x0]  }
0x67: {  	v15 =	vshra.s32 v26, $0x18;
	v9 =	vshra.s32 v21, $0x18;
	[tilespmem:s26+$0xFFFFFFB0] =	vst v20;
	v20 =	vxor.u32 v28, v25;
	v17 =	vld [tilespmem:s25+$0x70]  }
0x68: {  	v19 =	vsub.s32 $0x7F, v9;
	v9 =	vsub.s32 $0x7F, v15;
	v23 =	vshra.s32 v20, $0x18;
	[tilespmem:v12+s22+$0x0] =	vst.idx.add.s32.msk $0xffff, v1;
	s22 =	smov.u32 s20  }
0x69: {  	s28 =	simm.s32 $0x0;
	v15 =	vand.u32 $0x7FFFFFFF, v30;
	v12 =	vxor.u32 v24, v13;
	v13 =	vxor.u32 v18, v31;
	[tilespmem:s26+$0xFFFFFFD0] =	vst v26;
	v18 =	vld [tilespmem:s25+$0x40];
	s25 =	sadd.s32 $0x100, s25  }
0x6a: {  	[tilespmem:s23+$0x30] =	vst v16  }
0x6b: {  	[tilespmem:s23+$0xFFFFFF90] =	vst v21  }
0x6c: {  	[tilespmem:s23+$0x20] =	vst v20  }
0x6d: {  	[tilespmem:s23+$0x10] =	vst v6  }
0x6e: {  	[tilespmem:s23+$0xFFFFFFF0] =	vst v13  }
0x6f: {  	[tilespmem:s23+$0xFFFFFFE0] =	vst v12  }
0x70: {  	[tilespmem:v8+s22+$0x0] =	vst.idx.add.s32.msk $0xffff, v1  }
0x71: {  	[tilespmem:v9+s22+$0x0] =	vst.idx.add.s32.msk $0xffff, v1  }
0x72: {  	[tilespmem:v3+s22+$0x0] =	vst.idx.add.s32.msk $0xffff, v1  }
0x73: {  	v24 =	vshra.s32 v10, $0x1F;
	v49 =	vshra.s32 v14, $0x1F;
	v51 =	vsub.s32 $0x7F, v23;
	[tilespmem:v22+s22+$0x0] =	vst.idx.add.s32.msk $0xffff, v1  }
0x74: {  	v11 =	vsub.s32 $0x7F, v11;
	v4 =	vxor.u32 v4, v15;
	v48 =	vand.u32 $0x7FFFFFFF, v24;
	[tilespmem:v19+s22+$0x0] =	vst.idx.add.s32.msk $0xffff, v1  }
0x75: {  	v54 =	vshra.s32 v5, $0x1F;
	v52 =	vand.u32 $0x7FFFFFFF, v49;
	[tilespmem:s23+$0xFFFFFFC0] =	vst v4;
	v50 =	vxor.u32 v10, v48  }
0x76: {  	v19 =	vand.u32 $0x7FFFFFFF, v54;
	v61 =	vshra.s32 v7, $0x1F;
	v53 =	vxor.u32 v14, v52;
	[tilespmem:s23+$0xFFFFFF80] =	vst v50  }
0x77: {  	v58 =	vshra.s32 v13, $0x18;
	v56 =	vxor.u32 v5, v19;
	v8 =	vand.u32 $0x7FFFFFFF, v61;
	[tilespmem:s23+$0x50] =	vst v53  }
0x78: {  	v59 =	vshra.s32 v12, $0x18;
	v13 =	vsub.s32 $0x7F, v58;
	[tilespmem:s23+$0x60] =	vst v56;
	v62 =	vxor.u32 v7, v8  }
0x79: {  	v12 =	vsub.s32 $0x7F, v59;
	v55 =	vshra.s32 v17, $0x1F;
	[tilespmem:s23+$0x0] =	vst v62  }
0x7a: {  	v4 =	vshra.s32 v4, $0x18;
	v6 =	vand.u32 $0x7FFFFFFF, v55;
	[tilespmem:v51+s22+$0x0] =	vst.idx.add.s32.msk $0xffff, v1  }
0x7b: {  	v4 =	vsub.s32 $0x7F, v4;
	v5 =	vshra.s32 v56, $0x18;
	v6 =	vxor.u32 v17, v6;
	[tilespmem:v11+s22+$0x0] =	vst.idx.add.s32.msk $0xffff, v1  }
0x7c: {  	v14 =	vshra.s32 v53, $0x18;
	v57 =	vshra.s32 v18, $0x1F;
	v5 =	vsub.s32 $0x7F, v5;
	[tilespmem:s23+$0x70] =	vst v6  }
0x7d: {  	v10 =	vshra.s32 v50, $0x18;
	v14 =	vsub.s32 $0x7F, v14;
	v11 =	vand.u32 $0x7FFFFFFF, v57;
	[tilespmem:v13+s22+$0x0] =	vst.idx.add.s32.msk $0xffff, v1  }
0x7e: {  	v10 =	vsub.s32 $0x7F, v10;
	v7 =	vshra.s32 v62, $0x18;
	v11 =	vxor.u32 v18, v11;
	[tilespmem:v12+s22+$0x0] =	vst.idx.add.s32.msk $0xffff, v1  }
0x7f: {  	v6 =	vshra.s32 v6, $0x18;
	v63 =	vsub.s32 $0x7F, v7;
	[tilespmem:s23+$0x40] =	vst v11  }
0x80: {  	v6 =	vsub.s32 $0x7F, v6;
	v60 =	vshra.s32 v11, $0x18;
	[tilespmem:v4+s22+$0x0] =	vst.idx.add.s32.msk $0xffff, v1  }
0x81: {  	[tilespmem:v5+s22+$0x0] =	vst.idx.add.s32.msk $0xffff, v1;
	v5 =	vsub.s32 $0x7F, v60  }
0x82: {  	[tilespmem:v14+s22+$0x0] =	vst.idx.add.s32.msk $0xffff, v1  }
0x83: {  	[tilespmem:v10+s22+$0x0] =	vst.idx.add.s32.msk $0xffff, v1  }
0x84: {  	[tilespmem:v63+s22+$0x0] =	vst.idx.add.s32.msk $0xffff, v1  }
0x85: {  	s24 =	simm.s32 $0x0;
	[tilespmem:v6+s22+$0x0] =	vst.idx.add.s32.msk $0xffff, v1  }
0x86: {  	s25 =	simm.s32 $0x0;
	s23 =	simm.s32 $0x0;
	[tilespmem:v5+s22+$0x0] =	vst.idx.add.s32.msk $0xffff, v1;
	s22 =	simm.s32 $0x0  }
.LBB2_5:
0x87: {  	v3 =	vld [tilespmem:s20+$0x0];
	_ =	sdelay $0x4  }
0x88: {  	(xrf0) =	vadd.scan.msk.s32 $0xffff, v3;
	_ =	sdelay $0x5  }
0x89: {  	v4, _, _ =	vpop (xrf0)  }
0x8a: {  	v5 =	vadd.s32 s23, v4  }
0x8b: {  	vm0 =	vgt.s32 v5, $0x1FF  }
0x8c: {  	v5 =	vmctz.xlane vm0;
	_ =	sdelay $0x1  }
0x8d: {  	v5 =	vxor.u32 $0x80000000, v5  }
0x8e: {  	(xrf0) =	vmax.scan.msk.u32 $0xffff, v5;
	_ =	sdelay $0x5  }
0x8f: {  	v5, _, _ =	vpop (xrf0)  }
0x90: {  	(v2sf) =	vpush v5, $0xF;
	_ =	sdelay $0xe  }
0x91: {  	s26 =	spop (v2sf)  }
0x92: {  	s29 =	sxor.u32 $0x80000000, s26  }
0x93: {  	v62 =	vmov s29  }
0x94: {  	vm14 =	vgt.s32 v62, v2  }
0x95: {  	vm15 =	veq.s32 v62, v2;
	v6 =	vnsel vm14, $0x0, v3  }
0x96: {  	v3 =	vnsel vm15, $0x0, v3;
	(xrf0) =	vadd.scan.msk.s32 $0xffff, v6  }
0x97: {  	(xrf0) =	vadd.scan.msk.s32 $0xffff, v3;
	_ =	sdelay $0x1  }
0x98: {  	v3 =	vxor.u32 $0x80000000, v4;
	_ =	sdelay $0x2  }
0x99: {  	(xrf0) =	vmax.scan.msk.u32 $0xffff, v3;
	v3, _, _ =	vpop (xrf0)  }
0x9a: {  	v63, _, _ =	vpop (xrf0);
	(v2sf) =	vpush v3, $0xF  }
0x9b: {  	(v2sf) =	vpush v63, $0xF;
	_ =	sdelay $0x3  }
0x9c: {  	v3, _, _ =	vpop (xrf0)  }
0x9d: {  	(v2sf) =	vpush v3, $0xF;
	_ =	sdelay $0x6  }
0x9e: {  	s31 =	smov.u32 s28  }
0x9f: {  	s1 =	smov.u32 s24;
	s0 =	smov.u32 s22;
	s24 =	sadd.s32 s21, s26  }
0xa0: {  	p1 =	sgt.s32 s29, $0xF;
	p2 =	slt.s32 s29, $0x10;
	s30 =	spop (v2sf)  }
0xa1: {  	s24 =	smov.u32 @p1 s1;
	s28 =	spop (v2sf);
	s22 =	sadd.s32 s23, s30  }
0xa2: {  	s22 =	smov.u32 @p1 s0;
	s28 =	smov.u32 @p1 s31;
	p1 =	slt.u32 @!p2 s25, $0xF  }
0xa3: {  	p1 =	por p2, !p1  }
.Ltmp5:
0xa4: {  	_ = 	snop;
	(pc) =	sbr.rel @!p1 .LBB2_5-.Ltmp5, $4  }
0xa5: {  	_ = 	snop  }
0xa6: {  	s31 =	spop (v2sf)  }
0xa7: {  	s20 =	sadd.s32 $0x10, s20;
	s0 =	sadd.s32 s31, s23  }
0xa8: {  	s21 =	sadd.s32 $0x10, s21;
	s25 =	sadd.s32 $0x1, s25;
	s23 =	sadd.s32 $0x80000000, s0  }
0xa9: {  	s21 =	ssub.s32 $0x200, s22  }
0xaa: {  	p1 =	seq.s32 s28, s21  }
.Ltmp6:
0xab: {  	_ = 	snop;
	(pc) =	sbr.rel @p1 .LBB2_15-.Ltmp6, $3  }
0xac: {  	_ =	sdelay $0x1  }
0xad: {  	s0 =	sshll.u32 s24, $0x18  }
0xae: {  	s22 =	simm.s32 $0x1;
	s20 =	sxor.u32 $0x7F000000, s0  }
.LBB2_7:
0xaf: {  	[tilespmem:$0x8000] =	vst v0  }
0xb0: {  	[tilespmem:$0x8010] =	vst v0  }
0xb1: {  	[tilespmem:$0x8020] =	vst v0  }
0xb2: {  	[tilespmem:$0x8030] =	vst v0  }
0xb3: {  	[tilespmem:$0x8040] =	vst v0  }
0xb4: {  	[tilespmem:$0x8050] =	vst v0  }
0xb5: {  	[tilespmem:$0x8060] =	vst v0  }
0xb6: {  	[tilespmem:$0x8070] =	vst v0  }
0xb7: {  	[tilespmem:$0x8080] =	vst v0  }
0xb8: {  	[tilespmem:$0x8090] =	vst v0  }
0xb9: {  	[tilespmem:$0x80A0] =	vst v0  }
0xba: {  	[tilespmem:$0x80B0] =	vst v0  }
0xbb: {  	[tilespmem:$0x80C0] =	vst v0  }
0xbc: {  	[tilespmem:$0x80D0] =	vst v0  }
0xbd: {  	[tilespmem:$0x80E0] =	vst v0  }
0xbe: {  	[tilespmem:$0x80F0] =	vst v0  }
0xbf: {  	v7 =	vld [tilespmem:s19+$0xFFFFFFC0]  }
0xc0: {  	v6 =	vld [tilespmem:s19+$0xFFFFFF80]  }
0xc1: {  	v8 =	vld [tilespmem:s19+$0xFFFFFFE0]  }
0xc2: {  	v11 =	vld [tilespmem:s19+$0x50]  }
0xc3: {  	s0 =	sshll.u32 s22, $0x3;
	v12 =	vld [tilespmem:s19+$0xFFFFFFD0]  }
0xc4: {  	s1 =	ssub.s32 $0x20, s0;
	v19 =	vld [tilespmem:s19+$0x20]  }
0xc5: {  	s23 =	ssub.s32 $0x18, s0;
	v18 =	vld [tilespmem:s19+$0xFFFFFFA0];
	s31 =	sshll.u32 s13, s1  }
0xc6: {  	v10 =	vld [tilespmem:s19+$0xFFFFFFF0];
	v4 =	vmov s23;
	v5 =	vmov s31  }
0xc7: {  	v3 =	vmov s20;
	v14 =	vld [tilespmem:s19+$0xFFFFFFB0];
	v13 =	vand.u32 v5, v6;
	v15 =	vshra.s32 v6, v4  }
0xc8: {  	v6 =	vand.u32 v5, v8;
	v17 =	vshra.s32 v11, v4;
	v21 =	vand.u32 v5, v12  }
0xc9: {  	v9 =	vld [tilespmem:s19+$0x10];
	v8 =	vshra.s32 v8, v4;
	v22 =	vand.u32 v5, v7;
	v23 =	vshra.s32 v19, v4  }
0xca: {  	v24 =	vand.u32 v5, v18;
	v11 =	vand.u32 v5, v11;
	v19 =	vand.u32 v5, v19  }
0xcb: {  	v16 =	vld [tilespmem:s19+$0xFFFFFF90];
	vm0 =	veq.s32 v13, v3;
	v15 =	vandn.u32 $0xFF, v15;
	v13 =	vand.u32 v5, v10  }
0xcc: {  	v10 =	vshra.s32 v10, v4;
	vm3 =	veq.s32 v21, v3;
	v21 =	vshra.s32 v14, v4  }
0xcd: {  	vm4 =	veq.s32 v24, v3;
	vm5 =	veq.s32 v13, v3;
	v20 =	vandn.u32 $0xFF, v10  }
0xce: {  	v25 =	vld [tilespmem:s19+$0x30];
	v10 =	vshra.s32 v9, v4;
	v13 =	vandn.u32 $0xFF, v17;
	v17 =	vand.u32 v5, v14  }
0xcf: {  	vm7 =	veq.s32 v11, v3;
	vm1 =	veq.s32 v17, v3;
	v14 =	vandn.u32 $0xFF, v10  }
0xd0: {  	v10 =	vand.u32 v5, v16;
	v17 =	vand.u32 v5, v9;
	v9 =	vshra.s32 v16, v4;
	v16 =	vld [tilespmem:s19+$0x0]  }
0xd1: {  	vm2 =	veq.s32 v10, v3;
	v10 =	vandn.u32 $0xFF, v9;
	v9 =	vshra.s32 v18, v4;
	v18 =	vld [tilespmem:s19+$0x70]  }
0xd2: {  	v11 =	vshra.s32 v12, v4;
	vm8 =	veq.s32 v19, v3;
	[tilespmem:v15+s14+$0x0] =	vst.idx.add.s32.msk vm0, v1  }
0xd3: {  	v12 =	vandn.u32 $0xFF, v21;
	v21 =	vshra.s32 v25, v4;
	v11 =	vandn.u32 $0xFF, v11;
	[tilespmem:v20+s14+$0x0] =	vst.idx.add.s32.msk vm5, v1  }
0xd4: {  	v15 =	vandn.u32 $0xFF, v23;
	vm0 =	veq.s32 v22, v3;
	v22 =	vshra.s32 v7, v4;
	v20 =	vld [tilespmem:s19+$0x40]  }
0xd5: {  	s24 =	simm.s32 $0x0;
	s25 =	sadd.s32 $0x100, s19;
	v19 =	vld [tilespmem:s19+$0x60];
	v7 =	vandn.u32 $0xFF, v9;
	v9 =	vandn.u32 $0xFF, v22;
	v22 =	vand.u32 v5, v25  }
.LBB2_8:
0xd6: {  	v23 =	vld [tilespmem:s25+$0xFFFFFFC0];
	s24 =	sadd.s32 $0x10, s24;
	vm11 =	veq.s32 v17, v3;
	vm10 =	veq.s32 v22, v3;
	v17 =	vandn.u32 $0xFF, v21  }
0xd7: {  	v22 =	vshra.s32 v16, v4;
	v21 =	vld [tilespmem:s25+$0xFFFFFF80];
	p1 =	slt.u32 s24, $0x1F0;
	v24 =	vand.u32 v5, v18;
	v18 =	vshra.s32 v18, v4  }
0xd8: {  	vm6 =	vmmov vm3;
	vm5 =	vmmov vm4;
	v25 =	vld [tilespmem:s25+$0x10];
	vm9 =	veq.s32 v24, v3  }
0xd9: {  	v24 =	vand.u32 v5, v20;
	[tilespmem:v13+s14+$0x0] =	vst.idx.add.s32.msk vm7, v1;
	v13 =	vandn.u32 $0xFF, v18  }
0xda: {  	v20 =	vshra.s32 v20, v4;
	v18 =	vld [tilespmem:s25+$0xFFFFFFB0];
	v26 =	vand.u32 v5, v19;
	v19 =	vshra.s32 v19, v4  }
0xdb: {  	vm4 =	veq.s32 v24, v3;
	v27 =	vld [tilespmem:s25+$0xFFFFFF90];
	vm3 =	veq.s32 v26, v3  }
0xdc: {  	v16 =	vand.u32 v5, v16;
	v19 =	vandn.u32 $0xFF, v19;
	[tilespmem:v14+s14+$0x0] =	vst.idx.add.s32.msk vm11, v1;
	v14 =	vandn.u32 $0xFF, v20  }
0xdd: {  	vm7 =	veq.s32 v16, v3;
	[tilespmem:v15+s14+$0x0] =	vst.idx.add.s32.msk vm8, v1  }
0xde: {  	v15 =	vandn.u32 $0xFF, v22;
	[tilespmem:v17+s14+$0x0] =	vst.idx.add.s32.msk vm10, v1  }
0xdf: {  	v16 =	vld [tilespmem:s25+$0xFFFFFFE0]  }
0xe0: {  	v20 =	vld [tilespmem:s25+$0xFFFFFFD0]  }
0xe1: {  	v17 =	vand.u32 v5, v21;
	v21 =	vshra.s32 v21, v4;
	[tilespmem:v14+s14+$0x0] =	vst.idx.add.s32.msk vm4, v1  }
0xe2: {  	v8 =	vandn.u32 $0xFF, v8;
	vm4 =	veq.s32 v6, v3;
	v22 =	vld [tilespmem:s25+$0x50]  }
0xe3: {  	[tilespmem:v15+s14+$0x0] =	vst.idx.add.s32.msk vm7, v1  }
0xe4: {  	v6 =	vand.u32 v5, v16;
	v14 =	vld [tilespmem:s25+$0xFFFFFFF0]  }
0xe5: {  	vm7 =	veq.s32 v17, v3;
	v24 =	vld [tilespmem:s25+$0x20]  }
0xe6: {  	[tilespmem:v13+s14+$0x0] =	vst.idx.add.s32.msk vm9, v1  }
0xe7: {  	v15 =	vandn.u32 $0xFF, v21;
	[tilespmem:v10+s14+$0x0] =	vst.idx.add.s32.msk vm2, v1  }
0xe8: {  	[tilespmem:v8+s14+$0x0] =	vst.idx.add.s32.msk vm4, v1  }
0xe9: {  	v13 =	vshra.s32 v22, v4;
	v21 =	vld [tilespmem:s25+$0xFFFFFFA0];
	v8 =	vand.u32 v5, v14;
	v10 =	vshra.s32 v14, v4  }
0xea: {  	vm8 =	veq.s32 v8, v3;
	v26 =	vandn.u32 $0xFF, v10;
	v10 =	vshra.s32 v25, v4;
	[tilespmem:v12+s14+$0x0] =	vst.idx.add.s32.msk vm1, v1  }
0xeb: {  	v13 =	vandn.u32 $0xFF, v13;
	v12 =	vand.u32 v5, v20;
	v8 =	vshra.s32 v16, v4;
	[tilespmem:v19+s14+$0x0] =	vst.idx.add.s32.msk vm3, v1  }
0xec: {  	v19 =	vand.u32 v5, v23;
	vm3 =	veq.s32 v12, v3;
	[tilespmem:v15+s14+$0x0] =	vst.idx.add.s32.msk vm7, v1  }
0xed: {  	v28 =	vshra.s32 v18, v4;
	v12 =	vand.u32 v5, v18;
	v15 =	vshra.s32 v24, v4;
	v29 =	vld [tilespmem:s25+$0x30]  }
0xee: {  	v14 =	vandn.u32 $0xFF, v10;
	vm1 =	veq.s32 v12, v3;
	v16 =	vand.u32 v5, v21;
	[tilespmem:v11+s14+$0x0] =	vst.idx.add.s32.msk vm6, v1  }
0xef: {  	v17 =	vand.u32 v5, v25;
	v10 =	vand.u32 v5, v27;
	vm4 =	veq.s32 v16, v3;
	v16 =	vld [tilespmem:s25+$0x0]  }
0xf0: {  	vm2 =	veq.s32 v10, v3;
	v10 =	vshra.s32 v27, v4;
	v15 =	vandn.u32 $0xFF, v15;
	[tilespmem:v7+s14+$0x0] =	vst.idx.add.s32.msk vm5, v1  }
.Ltmp7:
0xf1: {  	v10 =	vandn.u32 $0xFF, v10;
	v11 =	vand.u32 v5, v22;
	v7 =	vshra.s32 v21, v4;
	[tilespmem:v9+s14+$0x0] =	vst.idx.add.s32.msk vm0, v1;
	(pc) =	sbr.rel @p1 .LBB2_8-.Ltmp7, $4  }
0xf2: {  	vm7 =	veq.s32 v11, v3;
	vm0 =	veq.s32 v19, v3;
	v9 =	vshra.s32 v23, v4;
	v18 =	vld [tilespmem:s25+$0x70]  }
0xf3: {  	v11 =	vshra.s32 v20, v4;
	v7 =	vandn.u32 $0xFF, v7;
	v19 =	vand.u32 v5, v24;
	[tilespmem:v26+s14+$0x0] =	vst.idx.add.s32.msk vm8, v1  }
0xf4: {  	v12 =	vandn.u32 $0xFF, v28;
	v9 =	vandn.u32 $0xFF, v9;
	v21 =	vshra.s32 v29, v4;
	v20 =	vld [tilespmem:s25+$0x40]  }
0xf5: {  	v11 =	vandn.u32 $0xFF, v11;
	v22 =	vand.u32 v5, v29;
	vm8 =	veq.s32 v19, v3;
	v19 =	vld [tilespmem:s25+$0x60];
	s25 =	sadd.s32 $0x100, s25  }
0xf6: {  	_ =	sdelay $0x4  }
0xf7: {  	vm5 =	veq.s32 v17, v3;
	[tilespmem:v13+s14+$0x0] =	vst.idx.add.s32.msk vm7, v1  }
0xf8: {  	vm6 =	veq.s32 v22, v3;
	[tilespmem:v15+s14+$0x0] =	vst.idx.add.s32.msk vm8, v1  }
0xf9: {  	v55 =	vandn.u32 $0xFF, v21;
	vm14 =	veq.s32 v6, v3;
	[tilespmem:v10+s14+$0x0] =	vst.idx.add.s32.msk vm2, v1  }
0xfa: {  	v56 =	vshra.s32 v16, v4;
	v63 =	vandn.u32 $0xFF, v8;
	vm3 =	vmmov vm3;
	[tilespmem:v12+s14+$0x0] =	vst.idx.add.s32.msk vm1, v1  }
0xfb: {  	v59 =	vand.u32 v5, v16;
	vm4 =	vmmov vm4;
	[tilespmem:v9+s14+$0x0] =	vst.idx.add.s32.msk vm0, v1;
	v60 =	vand.u32 v5, v18  }
0xfc: {  	vm10 =	veq.s32 v59, v3;
	v61 =	vshra.s32 v18, v4;
	vm13 =	veq.s32 v60, v3  }
0xfd: {  	v62 =	vandn.u32 $0xFF, v56;
	v57 =	vand.u32 v5, v20;
	v58 =	vshra.s32 v20, v4;
	[tilespmem:v14+s14+$0x0] =	vst.idx.add.s32.msk vm5, v1  }
0xfe: {  	v16 =	vandn.u32 $0xFF, v61;
	vm9 =	veq.s32 v57, v3;
	v5 =	vand.u32 v5, v19;
	[tilespmem:v55+s14+$0x0] =	vst.idx.add.s32.msk vm6, v1  }
0xff: {  	v20 =	vandn.u32 $0xFF, v58;
	v4 =	vshra.s32 v19, v4;
	vm15 =	veq.s32 v5, v3;
	[tilespmem:v63+s14+$0x0] =	vst.idx.add.s32.msk vm14, v1  }
0x100: {  	v3 =	vandn.u32 $0xFF, v4;
	[tilespmem:v11+s14+$0x0] =	vst.idx.add.s32.msk vm3, v1  }
0x101: {  	[tilespmem:v7+s14+$0x0] =	vst.idx.add.s32.msk vm4, v1  }
0x102: {  	[tilespmem:v62+s14+$0x0] =	vst.idx.add.s32.msk vm10, v1  }
0x103: {  	s24 =	simm.s32 $0x0;
	[tilespmem:v16+s14+$0x0] =	vst.idx.add.s32.msk vm13, v1  }
0x104: {  	s25 =	simm.s32 $0x8000;
	s26 =	simm.s32 $0x80000000;
	s29 =	simm.s32 $0x0;
	[tilespmem:v20+s14+$0x0] =	vst.idx.add.s32.msk vm9, v1  }
0x105: {  	s30 =	simm.s32 $0x0;
	s28 =	simm.s32 $0x0;
	s31 =	simm.s32 $0x0;
	[tilespmem:v3+s14+$0x0] =	vst.idx.add.s32.msk vm15, v1;
	v3 =	vmov s21  }
.LBB2_10:
0x106: {  	v4 =	vld [tilespmem:s25+$0x0];
	_ =	sdelay $0x4  }
0x107: {  	(xrf0) =	vadd.scan.msk.s32 $0xffff, v4;
	_ =	sdelay $0x5  }
0x108: {  	v5, _, _ =	vpop (xrf0)  }
0x109: {  	v6 =	vadd.s32 s29, v5  }
0x10a: {  	vm0 =	vge.s32 v6, v3  }
0x10b: {  	v6 =	vmctz.xlane vm0;
	_ =	sdelay $0x1  }
0x10c: {  	v6 =	vxor.u32 $0x80000000, v6  }
0x10d: {  	(xrf0) =	vmax.scan.msk.u32 $0xffff, v6;
	_ =	sdelay $0x5  }
0x10e: {  	v6, _, _ =	vpop (xrf0)  }
0x10f: {  	(v2sf) =	vpush v6, $0xF;
	_ =	sdelay $0xe  }
0x110: {  	s0 =	spop (v2sf)  }
0x111: {  	s1 =	sxor.u32 $0x80000000, s0  }
0x112: {  	v63 =	vmov s1  }
0x113: {  	vm14 =	vgt.s32 v63, v2  }
0x114: {  	vm15 =	veq.s32 v63, v2;
	v7 =	vnsel vm14, $0x0, v4  }
0x115: {  	v4 =	vnsel vm15, $0x0, v4;
	(xrf0) =	vadd.scan.msk.s32 $0xffff, v7  }
0x116: {  	(xrf0) =	vadd.scan.msk.s32 $0xffff, v4;
	_ =	sdelay $0x1  }
0x117: {  	v4 =	vxor.u32 $0x80000000, v5;
	_ =	sdelay $0x2  }
0x118: {  	(xrf0) =	vmax.scan.msk.u32 $0xffff, v4;
	v4, _, _ =	vpop (xrf0)  }
0x119: {  	v5, _, _ =	vpop (xrf0);
	(v2sf) =	vpush v4, $0xF  }
0x11a: {  	(v2sf) =	vpush v5, $0xF;
	_ =	sdelay $0x3  }
0x11b: {  	v4, _, _ =	vpop (xrf0)  }
0x11c: {  	(v2sf) =	vpush v4, $0xF;
	_ =	sdelay $0x6  }
0x11d: {  	s3 =	smov.u32 s24  }
0x11e: {  	s5 =	smov.u32 s28;
	s7 =	smov.u32 s30;
	s28 =	sadd.s32 s26, s0  }
0x11f: {  	p1 =	sgt.s32 s1, $0xF;
	p2 =	slt.s32 s1, $0x10;
	s10 =	spop (v2sf)  }
0x120: {  	s28 =	smov.u32 @p1 s5;
	s24 =	spop (v2sf);
	s30 =	sadd.s32 s29, s10  }
0x121: {  	s30 =	smov.u32 @p1 s7;
	s24 =	smov.u32 @p1 s3;
	p1 =	slt.u32 @!p2 s31, $0xF  }
0x122: {  	p1 =	por p2, !p1  }
.Ltmp8:
0x123: {  	_ = 	snop;
	(pc) =	sbr.rel @!p1 .LBB2_10-.Ltmp8, $4  }
0x124: {  	_ = 	snop  }
0x125: {  	s10 =	spop (v2sf)  }
0x126: {  	s25 =	sadd.s32 $0x10, s25;
	s0 =	sadd.s32 s10, s29  }
0x127: {  	s26 =	sadd.s32 $0x10, s26;
	s31 =	sadd.s32 $0x1, s31;
	s29 =	sadd.s32 $0x80000000, s0  }
0x128: {  	s21 =	ssub.s32 s21, s30;
	p1 =	sgt.u32 s22, $0x2  }
0x129: {  	p2 =	sne.s32 @!p1 s24, s21  }
0x12a: {  	p1 =	por p1, !p2  }
.Ltmp9:
0x12b: {  	_ = 	snop;
	(pc) =	sbr.rel @!p1 .LBB2_7-.Ltmp9, $4  }
0x12c: {  	_ = 	snop  }
0x12d: {  	s0 =	ssub.s32 $0xFF, s28  }
0x12e: {  	s0 =	sshll.u32 s0, s23  }
0x12f: {  	s22 =	sadd.s32 $0x1, s22;
	s20 =	sor.u32 s20, s0  }
0x130: {  	p1 =	seq.s32 s24, s21  }
.Ltmp10:
0x131: {  	_ = 	snop;
	(pc) =	sbr.rel @!p1 .LBB2_13-.Ltmp10, $1  }
0x132: {  	_ =	sdelay $0x3  }
.LBB2_15:
0x133: {  	s0 =	sshra.s32 s20, $0x1F  }
0x134: {  	v4 =	vld [tilespmem:s18+$0x70];
	s0 =	sand.u32 $0x7FFFFFFF, s0  }
0x135: {  	v5 =	vld [tilespmem:s18+$0xFFFFFF90];
	s0 =	sxor.u32 s20, s0  }
0x136: {  	v6 =	vld [tilespmem:s18+$0xFFFFFFA0];
	v3 =	vmov s0  }
0x137: {  	v7 =	vld [tilespmem:s18+$0xFFFFFFB0];
	v3 =	vbroadcast v3, $0x0  }
0x138: {  	v8 =	vld [tilespmem:s18+$0xFFFFFFC0]  }
0x139: {  	v9 =	vld [tilespmem:s18+$0xFFFFFFD0];
	vm0 =	vge.f32 v4, v3  }
0x13a: {  	v10 =	vld [tilespmem:s18+$0xFFFFFFE0];
	vm1 =	vge.f32 v5, v3;
	v4 =	vnsel vm0, $0x0, v4  }
0x13b: {  	v11 =	vld [tilespmem:s18+$0xFFFFFFF0];
	v5 =	vnsel vm1, $0x0, v5;
	vm0 =	vge.f32 v6, v3;
	[tilespmem:s18+$0x70] =	vst v4  }
0x13c: {  	[tilespmem:s18+$0xFFFFFF90] =	vst v5;
	v4 =	vnsel vm0, $0x0, v6;
	vm0 =	vge.f32 v7, v3;
	v6 =	vld [tilespmem:s18+$0x0]  }
0x13d: {  	v12 =	vld [tilespmem:s18+$0x10];
	[tilespmem:s18+$0xFFFFFFA0] =	vst v4;
	v4 =	vnsel vm0, $0x0, v7;
	vm0 =	vge.f32 v8, v3  }
0x13e: {  	[tilespmem:s18+$0xFFFFFFB0] =	vst v4;
	v5 =	vnsel vm0, $0x0, v8;
	vm0 =	vge.f32 v9, v3;
	v4 =	vld [tilespmem:s18+$0x20]  }
0x13f: {  	[tilespmem:s18+$0xFFFFFFC0] =	vst v5;
	v7 =	vnsel vm0, $0x0, v9;
	vm0 =	vge.f32 v10, v3;
	v5 =	vld [tilespmem:s18+$0x30]  }
0x140: {  	[tilespmem:s18+$0xFFFFFFD0] =	vst v7;
	v8 =	vnsel vm0, $0x0, v10;
	vm0 =	vge.f32 v11, v3;
	v7 =	vld [tilespmem:s18+$0x40]  }
0x141: {  	v9 =	vld [tilespmem:s18+$0x50];
	[tilespmem:s18+$0xFFFFFFE0] =	vst v8;
	v8 =	vnsel vm0, $0x0, v11;
	vm0 =	vge.f32 v6, v3  }
0x142: {  	[tilespmem:s18+$0xFFFFFFF0] =	vst v8;
	v10 =	vnsel vm0, $0x0, v6;
	vm0 =	vge.f32 v12, v3;
	v8 =	vld [tilespmem:s18+$0x60]  }
0x143: {  	s19 =	simm.s32 $0x0;
	s20 =	sadd.s32 $0x100, s18;
	v6 =	vld [tilespmem:s18+$0xFFFFFF80];
	[tilespmem:s18+$0x0] =	vst v10;
	v10 =	vnsel vm0, $0x0, v12;
	vm0 =	vge.f32 v4, v3  }
.LBB2_16:
0x144: {  	v11 =	vld [tilespmem:s20+$0x70];
	s19 =	sadd.s32 $0x10, s19;
	[tilespmem:s18+$0x10] =	vst v10;
	v4 =	vnsel vm0, $0x0, v4;
	vm0 =	vge.f32 v5, v3  }
0x145: {  	v10 =	vld [tilespmem:s20+$0xFFFFFF90];
	p1 =	slt.u32 s19, $0x1F0;
	[tilespmem:s18+$0x20] =	vst v4;
	v4 =	vnsel vm0, $0x0, v5;
	vm0 =	vge.f32 v7, v3  }
0x146: {  	v5 =	vld [tilespmem:s20+$0xFFFFFFA0];
	[tilespmem:s18+$0x30] =	vst v4;
	v4 =	vnsel vm0, $0x0, v7;
	vm0 =	vge.f32 v9, v3  }
0x147: {  	v7 =	vld [tilespmem:s20+$0xFFFFFFB0];
	[tilespmem:s18+$0x40] =	vst v4;
	v4 =	vnsel vm0, $0x0, v9;
	vm0 =	vge.f32 v8, v3  }
0x148: {  	v9 =	vld [tilespmem:s20+$0xFFFFFFC0];
	vm1 =	vge.f32 v6, v3;
	[tilespmem:s18+$0x50] =	vst v4;
	v4 =	vnsel vm0, $0x0, v8  }
0x149: {  	v8 =	vld [tilespmem:s20+$0xFFFFFFD0];
	vm0 =	vge.f32 v11, v3;
	v6 =	vnsel vm1, $0x0, v6;
	[tilespmem:s18+$0x60] =	vst v4  }
0x14a: {  	vm1 =	vge.f32 v10, v3;
	v12 =	vld [tilespmem:s20+$0xFFFFFFE0];
	v4 =	vnsel vm0, $0x0, v11;
	[tilespmem:s18+$0xFFFFFF80] =	vst v6;
	s18 =	smov.u32 s20  }
0x14b: {  	v6 =	vnsel vm1, $0x0, v10;
	vm0 =	vge.f32 v5, v3;
	v10 =	vld [tilespmem:s20+$0xFFFFFFF0];
	[tilespmem:s20+$0x70] =	vst v4  }
0x14c: {  	[tilespmem:s20+$0xFFFFFF90] =	vst v6;
	v4 =	vnsel vm0, $0x0, v5;
	vm0 =	vge.f32 v7, v3;
	v6 =	vld [tilespmem:s20+$0x0]  }
0x14d: {  	[tilespmem:s20+$0xFFFFFFA0] =	vst v4;
	v4 =	vnsel vm0, $0x0, v7;
	vm0 =	vge.f32 v9, v3;
	v11 =	vld [tilespmem:s20+$0x10]  }
0x14e: {  	[tilespmem:s20+$0xFFFFFFB0] =	vst v4;
	v5 =	vnsel vm0, $0x0, v9;
	vm0 =	vge.f32 v8, v3;
	v4 =	vld [tilespmem:s20+$0x20]  }
.Ltmp11:
0x14f: {  	[tilespmem:s20+$0xFFFFFFC0] =	vst v5;
	v7 =	vnsel vm0, $0x0, v8;
	vm0 =	vge.f32 v12, v3;
	v5 =	vld [tilespmem:s20+$0x30];
	(pc) =	sbr.rel @p1 .LBB2_16-.Ltmp11, $4  }
0x150: {  	[tilespmem:s20+$0xFFFFFFD0] =	vst v7;
	v8 =	vnsel vm0, $0x0, v12;
	vm0 =	vge.f32 v10, v3;
	v7 =	vld [tilespmem:s20+$0x40]  }
0x151: {  	[tilespmem:s20+$0xFFFFFFE0] =	vst v8;
	v8 =	vnsel vm0, $0x0, v10;
	vm0 =	vge.f32 v6, v3;
	v9 =	vld [tilespmem:s20+$0x50]  }
0x152: {  	[tilespmem:s20+$0xFFFFFFF0] =	vst v8;
	v10 =	vnsel vm0, $0x0, v6;
	vm0 =	vge.f32 v11, v3;
	v8 =	vld [tilespmem:s20+$0x60]  }
0x153: {  	s20 =	sadd.s32 $0x100, s20;
	v6 =	vld [tilespmem:s18+$0xFFFFFF80];
	[tilespmem:s18+$0x0] =	vst v10;
	v10 =	vnsel vm0, $0x0, v11;
	vm0 =	vge.f32 v4, v3  }
0x154: {  	[tilespmem:s18+$0x10] =	vst v10;
	v4 =	vnsel vm0, $0x0, v4;
	vm12 =	vge.f32 v5, v3  }
0x155: {  	[tilespmem:s18+$0x20] =	vst v4;
	v60 =	vnsel vm12, $0x0, v5;
	vm13 =	vge.f32 v7, v3  }
.Ltmp12:
0x156: {  	[tilespmem:s18+$0x30] =	vst v60;
	v61 =	vnsel vm13, $0x0, v7;
	vm14 =	vge.f32 v9, v3;
	(pc) =	sbr.rel .LBB2_18-.Ltmp12, $4  }
0x157: {  	[tilespmem:s18+$0x40] =	vst v61;
	v62 =	vnsel vm14, $0x0, v9;
	vm15 =	vge.f32 v8, v3  }
0x158: {  	vm1 =	vge.f32 v6, v3;
	[tilespmem:s18+$0x50] =	vst v62;
	v3 =	vnsel vm15, $0x0, v8  }
0x159: {  	v63 =	vnsel vm1, $0x0, v6;
	[tilespmem:s18+$0x60] =	vst v3  }
0x15a: {  	[tilespmem:s18+$0xFFFFFF80] =	vst v63  }
.LBB2_13:
0x15b: {  	v5 =	vmov s19;
	_ =	sdelay $0x2  }
0x15c: {  	v3 =	vmov s20;
	v4 =	vmov s21;
	s20 =	simm.s32 $0x0;
	v6 =	vmov s18;
	s19 =	simm.s32 $0x0  }
.LBB2_14:
0x15d: {  	s18 =	sshra.s32 s20, $0x2  }
0x15e: {  	v7 =	vld.idx.msk [tilespmem:v5+s18+$0xFFFFFF80 ss:$0x1], $0xffff;
	_ =	sdelay $0x4  }
0x15f: {  	vm0 =	veq.s32 v7, v3  }
0x160: {  	v8 =	vsel vm0, $0x1, v0  }
0x161: {  	(xrf0) =	vadd.scan.msk.s32 $0xffff, v8;
	_ =	sdelay $0x5  }
0x162: {  	v9, _, _ =	vpop (xrf0)  }
0x163: {  	v10 =	vadd.s32 s19, v9;
	v9 =	vxor.u32 $0x80000000, v9  }
0x164: {  	v8 =	vld.idx.msk [tilespmem:v6+s18+$0xFFFFFF80 ss:$0x1], $0xffff;
	(xrf0) =	vmax.scan.msk.u32 $0xffff, v9;
	_ =	sdelay $0x1  }
0x165: {  	vm1 =	vle.s32 v10, v4  }
0x166: {  	vm2 =	vgt.s32 v7, v3;
	vm0 =	vmand vm0, vm1  }
0x167: {  	vm0 =	vmor vm2, vm0  }
0x168: {  	v7 =	vnsel vm0, $0x0, v8  }
0x169: {  	[tilespmem:v6+s18+$0xFFFFFF80 ss:$0x1] =	vst.idx.msk $0xffff, v7;
	v8, _, _ =	vpop (xrf0)  }
0x16a: {  	v7 =	vld.idx.msk [tilespmem:v5+s18+$0xFFFFFF90 ss:$0x1], $0xffff;
	(v2sf) =	vpush v8, $0xF;
	_ =	sdelay $0x4  }
0x16b: {  	vm7 =	veq.s32 v7, v3  }
0x16c: {  	v8 =	vsel vm7, $0x1, v0  }
0x16d: {  	(xrf0) =	vadd.scan.msk.s32 $0xffff, v8;
	_ =	sdelay $0x5  }
0x16e: {  	v8, _, _ =	vpop (xrf0)  }
0x16f: {  	v34 =	vxor.u32 $0x80000000, v8  }
0x170: {  	(xrf0) =	vmax.scan.msk.u32 $0xffff, v34;
	s0 =	spop (v2sf)  }
0x171: {  	s0 =	sadd.s32 s0, s19  }
0x172: {  	v35 =	vld.idx.msk [tilespmem:v6+s18+$0xFFFFFF90 ss:$0x1], $0xffff;
	s0 =	sadd.s32 $0x80000000, s0  }
0x173: {  	v8 =	vadd.s32 s0, v8  }
0x174: {  	vm8 =	vle.s32 v8, v4  }
0x175: {  	vm9 =	vgt.s32 v7, v3;
	vm0 =	vmand vm7, vm8  }
0x176: {  	v8, _, _ =	vpop (xrf0);
	vm0 =	vmor vm9, vm0  }
0x177: {  	(v2sf) =	vpush v8, $0xF;
	v7 =	vnsel vm0, $0x0, v35  }
0x178: {  	[tilespmem:v6+s18+$0xFFFFFF90 ss:$0x1] =	vst.idx.msk $0xffff, v7  }
0x179: {  	v7 =	vld.idx.msk [tilespmem:v5+s18+$0xFFFFFFA0 ss:$0x1], $0xffff;
	_ =	sdelay $0x4  }
0x17a: {  	vm10 =	veq.s32 v7, v3  }
0x17b: {  	v8 =	vsel vm10, $0x1, v0  }
0x17c: {  	(xrf0) =	vadd.scan.msk.s32 $0xffff, v8;
	_ =	sdelay $0x5  }
0x17d: {  	s1 =	spop (v2sf);
	v36, _, _ =	vpop (xrf0)  }
0x17e: {  	s0 =	sadd.s32 s1, s0;
	v9 =	vxor.u32 $0x80000000, v36  }
0x17f: {  	v8 =	vld.idx.msk [tilespmem:v6+s18+$0xFFFFFFA0 ss:$0x1], $0xffff;
	s0 =	sadd.s32 $0x80000000, s0;
	(xrf0) =	vmax.scan.msk.u32 $0xffff, v9  }
0x180: {  	v37 =	vadd.s32 s0, v36  }
0x181: {  	vm11 =	vle.s32 v37, v4  }
0x182: {  	vm12 =	vgt.s32 v7, v3;
	vm0 =	vmand vm10, vm11  }
0x183: {  	vm0 =	vmor vm12, vm0  }
0x184: {  	v7 =	vnsel vm0, $0x0, v8  }
0x185: {  	[tilespmem:v6+s18+$0xFFFFFFA0 ss:$0x1] =	vst.idx.msk $0xffff, v7;
	v8, _, _ =	vpop (xrf0)  }
0x186: {  	v7 =	vld.idx.msk [tilespmem:v5+s18+$0xFFFFFFB0 ss:$0x1], $0xffff;
	(v2sf) =	vpush v8, $0xF;
	_ =	sdelay $0x4  }
0x187: {  	vm13 =	veq.s32 v7, v3  }
0x188: {  	v8 =	vsel vm13, $0x1, v0  }
0x189: {  	(xrf0) =	vadd.scan.msk.s32 $0xffff, v8;
	_ =	sdelay $0x5  }
0x18a: {  	v8, _, _ =	vpop (xrf0)  }
0x18b: {  	v38 =	vxor.u32 $0x80000000, v8  }
0x18c: {  	(xrf0) =	vmax.scan.msk.u32 $0xffff, v38;
	s5 =	spop (v2sf)  }
0x18d: {  	s0 =	sadd.s32 s5, s0  }
0x18e: {  	v39 =	vld.idx.msk [tilespmem:v6+s18+$0xFFFFFFB0 ss:$0x1], $0xffff;
	s0 =	sadd.s32 $0x80000000, s0  }
0x18f: {  	v8 =	vadd.s32 s0, v8  }
0x190: {  	vm14 =	vle.s32 v8, v4  }
0x191: {  	vm15 =	vgt.s32 v7, v3;
	vm0 =	vmand vm13, vm14  }
0x192: {  	v8, _, _ =	vpop (xrf0);
	vm0 =	vmor vm15, vm0  }
0x193: {  	(v2sf) =	vpush v8, $0xF;
	v7 =	vnsel vm0, $0x0, v39  }
0x194: {  	[tilespmem:v6+s18+$0xFFFFFFB0 ss:$0x1] =	vst.idx.msk $0xffff, v7  }
0x195: {  	v7 =	vld.idx.msk [tilespmem:v5+s18+$0xFFFFFFC0 ss:$0x1], $0xffff;
	_ =	sdelay $0x4  }
0x196: {  	vm4 =	veq.s32 v7, v3  }
0x197: {  	v8 =	vsel vm4, $0x1, v0  }
0x198: {  	(xrf0) =	vadd.scan.msk.s32 $0xffff, v8;
	_ =	sdelay $0x5  }
0x199: {  	s7 =	spop (v2sf);
	v40, _, _ =	vpop (xrf0)  }
0x19a: {  	s0 =	sadd.s32 s7, s0;
	v9 =	vxor.u32 $0x80000000, v40  }
0x19b: {  	v8 =	vld.idx.msk [tilespmem:v6+s18+$0xFFFFFFC0 ss:$0x1], $0xffff;
	s0 =	sadd.s32 $0x80000000, s0;
	(xrf0) =	vmax.scan.msk.u32 $0xffff, v9  }
0x19c: {  	v41 =	vadd.s32 s0, v40  }
0x19d: {  	vm5 =	vle.s32 v41, v4  }
0x19e: {  	vm6 =	vgt.s32 v7, v3;
	vm0 =	vmand vm4, vm5  }
0x19f: {  	vm0 =	vmor vm6, vm0  }
0x1a0: {  	v7 =	vnsel vm0, $0x0, v8  }
0x1a1: {  	[tilespmem:v6+s18+$0xFFFFFFC0 ss:$0x1] =	vst.idx.msk $0xffff, v7;
	v8, _, _ =	vpop (xrf0)  }
0x1a2: {  	v7 =	vld.idx.msk [tilespmem:v5+s18+$0xFFFFFFD0 ss:$0x1], $0xffff;
	(v2sf) =	vpush v8, $0xF;
	_ =	sdelay $0x4  }
0x1a3: {  	vm7 =	veq.s32 v7, v3  }
0x1a4: {  	v8 =	vsel vm7, $0x1, v0  }
0x1a5: {  	(xrf0) =	vadd.scan.msk.s32 $0xffff, v8;
	_ =	sdelay $0x5  }
0x1a6: {  	v8, _, _ =	vpop (xrf0)  }
0x1a7: {  	v42 =	vxor.u32 $0x80000000, v8  }
0x1a8: {  	(xrf0) =	vmax.scan.msk.u32 $0xffff, v42;
	s10 =	spop (v2sf)  }
0x1a9: {  	s0 =	sadd.s32 s10, s0  }
0x1aa: {  	v43 =	vld.idx.msk [tilespmem:v6+s18+$0xFFFFFFD0 ss:$0x1], $0xffff;
	s0 =	sadd.s32 $0x80000000, s0  }
0x1ab: {  	v8 =	vadd.s32 s0, v8  }
0x1ac: {  	vm8 =	vle.s32 v8, v4  }
0x1ad: {  	vm9 =	vgt.s32 v7, v3;
	vm0 =	vmand vm7, vm8  }
0x1ae: {  	v8, _, _ =	vpop (xrf0);
	vm0 =	vmor vm9, vm0  }
0x1af: {  	(v2sf) =	vpush v8, $0xF;
	v7 =	vnsel vm0, $0x0, v43  }
0x1b0: {  	[tilespmem:v6+s18+$0xFFFFFFD0 ss:$0x1] =	vst.idx.msk $0xffff, v7  }
0x1b1: {  	v7 =	vld.idx.msk [tilespmem:v5+s18+$0xFFFFFFE0 ss:$0x1], $0xffff;
	_ =	sdelay $0x4  }
0x1b2: {  	vm10 =	veq.s32 v7, v3  }
0x1b3: {  	v8 =	vsel vm10, $0x1, v0  }
0x1b4: {  	(xrf0) =	vadd.scan.msk.s32 $0xffff, v8;
	_ =	sdelay $0x5  }
0x1b5: {  	s19 =	spop (v2sf);
	v44, _, _ =	vpop (xrf0)  }
0x1b6: {  	s0 =	sadd.s32 s19, s0;
	v9 =	vxor.u32 $0x80000000, v44  }
0x1b7: {  	v8 =	vld.idx.msk [tilespmem:v6+s18+$0xFFFFFFE0 ss:$0x1], $0xffff;
	s0 =	sadd.s32 $0x80000000, s0;
	(xrf0) =	vmax.scan.msk.u32 $0xffff, v9  }
0x1b8: {  	v45 =	vadd.s32 s0, v44  }
0x1b9: {  	vm11 =	vle.s32 v45, v4  }
0x1ba: {  	vm12 =	vgt.s32 v7, v3;
	vm0 =	vmand vm10, vm11  }
0x1bb: {  	vm0 =	vmor vm12, vm0  }
0x1bc: {  	v7 =	vnsel vm0, $0x0, v8  }
0x1bd: {  	[tilespmem:v6+s18+$0xFFFFFFE0 ss:$0x1] =	vst.idx.msk $0xffff, v7;
	v8, _, _ =	vpop (xrf0)  }
0x1be: {  	v7 =	vld.idx.msk [tilespmem:v5+s18+$0xFFFFFFF0 ss:$0x1], $0xffff;
	(v2sf) =	vpush v8, $0xF;
	_ =	sdelay $0x4  }
0x1bf: {  	vm13 =	veq.s32 v7, v3  }
0x1c0: {  	v8 =	vsel vm13, $0x1, v0  }
0x1c1: {  	(xrf0) =	vadd.scan.msk.s32 $0xffff, v8;
	_ =	sdelay $0x5  }
0x1c2: {  	v8, _, _ =	vpop (xrf0)  }
0x1c3: {  	v46 =	vxor.u32 $0x80000000, v8  }
0x1c4: {  	(xrf0) =	vmax.scan.msk.u32 $0xffff, v46;
	s21 =	spop (v2sf)  }
0x1c5: {  	s0 =	sadd.s32 s21, s0  }
0x1c6: {  	v47 =	vld.idx.msk [tilespmem:v6+s18+$0xFFFFFFF0 ss:$0x1], $0xffff;
	s0 =	sadd.s32 $0x80000000, s0  }
0x1c7: {  	v8 =	vadd.s32 s0, v8  }
0x1c8: {  	vm14 =	vle.s32 v8, v4  }
0x1c9: {  	vm15 =	vgt.s32 v7, v3;
	vm0 =	vmand vm13, vm14  }
0x1ca: {  	v8, _, _ =	vpop (xrf0);
	vm0 =	vmor vm15, vm0  }
0x1cb: {  	(v2sf) =	vpush v8, $0xF;
	v7 =	vnsel vm0, $0x0, v47  }
0x1cc: {  	[tilespmem:v6+s18+$0xFFFFFFF0 ss:$0x1] =	vst.idx.msk $0xffff, v7  }
0x1cd: {  	v7 =	vld.idx.msk [tilespmem:v5+s18+$0x0 ss:$0x1], $0xffff;
	_ =	sdelay $0x4  }
0x1ce: {  	vm4 =	veq.s32 v7, v3  }
0x1cf: {  	v8 =	vsel vm4, $0x1, v0  }
0x1d0: {  	(xrf0) =	vadd.scan.msk.s32 $0xffff, v8;
	_ =	sdelay $0x5  }
0x1d1: {  	s22 =	spop (v2sf);
	v48, _, _ =	vpop (xrf0)  }
0x1d2: {  	s0 =	sadd.s32 s22, s0;
	v9 =	vxor.u32 $0x80000000, v48  }
0x1d3: {  	v8 =	vld.idx.msk [tilespmem:v6+s18+$0x0 ss:$0x1], $0xffff;
	s0 =	sadd.s32 $0x80000000, s0;
	(xrf0) =	vmax.scan.msk.u32 $0xffff, v9  }
0x1d4: {  	v49 =	vadd.s32 s0, v48  }
0x1d5: {  	vm5 =	vle.s32 v49, v4  }
0x1d6: {  	vm6 =	vgt.s32 v7, v3;
	vm0 =	vmand vm4, vm5  }
0x1d7: {  	vm0 =	vmor vm6, vm0  }
0x1d8: {  	v7 =	vnsel vm0, $0x0, v8  }
0x1d9: {  	[tilespmem:v6+s18+$0x0 ss:$0x1] =	vst.idx.msk $0xffff, v7;
	v8, _, _ =	vpop (xrf0)  }
0x1da: {  	v7 =	vld.idx.msk [tilespmem:v5+s18+$0x10 ss:$0x1], $0xffff;
	(v2sf) =	vpush v8, $0xF;
	_ =	sdelay $0x4  }
0x1db: {  	vm7 =	veq.s32 v7, v3  }
0x1dc: {  	v8 =	vsel vm7, $0x1, v0  }
0x1dd: {  	(xrf0) =	vadd.scan.msk.s32 $0xffff, v8;
	_ =	sdelay $0x5  }
0x1de: {  	v8, _, _ =	vpop (xrf0)  }
0x1df: {  	v50 =	vxor.u32 $0x80000000, v8  }
0x1e0: {  	(xrf0) =	vmax.scan.msk.u32 $0xffff, v50;
	s23 =	spop (v2sf)  }
0x1e1: {  	s0 =	sadd.s32 s23, s0  }
0x1e2: {  	v51 =	vld.idx.msk [tilespmem:v6+s18+$0x10 ss:$0x1], $0xffff;
	s0 =	sadd.s32 $0x80000000, s0  }
0x1e3: {  	v8 =	vadd.s32 s0, v8  }
0x1e4: {  	vm8 =	vle.s32 v8, v4  }
0x1e5: {  	vm9 =	vgt.s32 v7, v3;
	vm0 =	vmand vm7, vm8  }
0x1e6: {  	v8, _, _ =	vpop (xrf0);
	vm0 =	vmor vm9, vm0  }
0x1e7: {  	(v2sf) =	vpush v8, $0xF;
	v7 =	vnsel vm0, $0x0, v51  }
0x1e8: {  	[tilespmem:v6+s18+$0x10 ss:$0x1] =	vst.idx.msk $0xffff, v7  }
0x1e9: {  	v7 =	vld.idx.msk [tilespmem:v5+s18+$0x20 ss:$0x1], $0xffff;
	_ =	sdelay $0x4  }
0x1ea: {  	vm10 =	veq.s32 v7, v3  }
0x1eb: {  	v8 =	vsel vm10, $0x1, v0  }
0x1ec: {  	(xrf0) =	vadd.scan.msk.s32 $0xffff, v8;
	_ =	sdelay $0x5  }
0x1ed: {  	s24 =	spop (v2sf);
	v52, _, _ =	vpop (xrf0)  }
0x1ee: {  	s0 =	sadd.s32 s24, s0;
	v9 =	vxor.u32 $0x80000000, v52  }
0x1ef: {  	v8 =	vld.idx.msk [tilespmem:v6+s18+$0x20 ss:$0x1], $0xffff;
	s0 =	sadd.s32 $0x80000000, s0;
	(xrf0) =	vmax.scan.msk.u32 $0xffff, v9  }
0x1f0: {  	v53 =	vadd.s32 s0, v52  }
0x1f1: {  	vm11 =	vle.s32 v53, v4  }
0x1f2: {  	vm12 =	vgt.s32 v7, v3;
	vm0 =	vmand vm10, vm11  }
0x1f3: {  	vm0 =	vmor vm12, vm0  }
0x1f4: {  	v7 =	vnsel vm0, $0x0, v8  }
0x1f5: {  	[tilespmem:v6+s18+$0x20 ss:$0x1] =	vst.idx.msk $0xffff, v7;
	v8, _, _ =	vpop (xrf0)  }
0x1f6: {  	v7 =	vld.idx.msk [tilespmem:v5+s18+$0x30 ss:$0x1], $0xffff;
	(v2sf) =	vpush v8, $0xF;
	_ =	sdelay $0x4  }
0x1f7: {  	vm13 =	veq.s32 v7, v3  }
0x1f8: {  	v8 =	vsel vm13, $0x1, v0  }
0x1f9: {  	(xrf0) =	vadd.scan.msk.s32 $0xffff, v8;
	_ =	sdelay $0x5  }
0x1fa: {  	v8, _, _ =	vpop (xrf0)  }
0x1fb: {  	v54 =	vxor.u32 $0x80000000, v8  }
0x1fc: {  	(xrf0) =	vmax.scan.msk.u32 $0xffff, v54;
	s25 =	spop (v2sf)  }
0x1fd: {  	s0 =	sadd.s32 s25, s0  }
0x1fe: {  	v55 =	vld.idx.msk [tilespmem:v6+s18+$0x30 ss:$0x1], $0xffff;
	s0 =	sadd.s32 $0x80000000, s0  }
0x1ff: {  	v8 =	vadd.s32 s0, v8  }
0x200: {  	vm14 =	vle.s32 v8, v4  }
0x201: {  	vm15 =	vgt.s32 v7, v3;
	vm0 =	vmand vm13, vm14  }
0x202: {  	v8, _, _ =	vpop (xrf0);
	vm0 =	vmor vm15, vm0  }
0x203: {  	(v2sf) =	vpush v8, $0xF;
	v7 =	vnsel vm0, $0x0, v55  }
0x204: {  	[tilespmem:v6+s18+$0x30 ss:$0x1] =	vst.idx.msk $0xffff, v7  }
0x205: {  	v7 =	vld.idx.msk [tilespmem:v5+s18+$0x40 ss:$0x1], $0xffff;
	_ =	sdelay $0x4  }
0x206: {  	vm4 =	veq.s32 v7, v3  }
0x207: {  	v8 =	vsel vm4, $0x1, v0  }
0x208: {  	(xrf0) =	vadd.scan.msk.s32 $0xffff, v8;
	_ =	sdelay $0x5  }
0x209: {  	s26 =	spop (v2sf);
	v56, _, _ =	vpop (xrf0)  }
0x20a: {  	s0 =	sadd.s32 s26, s0;
	v9 =	vxor.u32 $0x80000000, v56  }
0x20b: {  	v8 =	vld.idx.msk [tilespmem:v6+s18+$0x40 ss:$0x1], $0xffff;
	s0 =	sadd.s32 $0x80000000, s0;
	(xrf0) =	vmax.scan.msk.u32 $0xffff, v9  }
0x20c: {  	v57 =	vadd.s32 s0, v56  }
0x20d: {  	vm5 =	vle.s32 v57, v4  }
0x20e: {  	vm6 =	vgt.s32 v7, v3;
	vm0 =	vmand vm4, vm5  }
0x20f: {  	vm0 =	vmor vm6, vm0  }
0x210: {  	v7 =	vnsel vm0, $0x0, v8  }
0x211: {  	[tilespmem:v6+s18+$0x40 ss:$0x1] =	vst.idx.msk $0xffff, v7;
	v8, _, _ =	vpop (xrf0)  }
0x212: {  	v7 =	vld.idx.msk [tilespmem:v5+s18+$0x50 ss:$0x1], $0xffff;
	(v2sf) =	vpush v8, $0xF;
	_ =	sdelay $0x4  }
0x213: {  	vm7 =	veq.s32 v7, v3  }
0x214: {  	v8 =	vsel vm7, $0x1, v0  }
0x215: {  	(xrf0) =	vadd.scan.msk.s32 $0xffff, v8;
	_ =	sdelay $0x5  }
0x216: {  	v8, _, _ =	vpop (xrf0)  }
0x217: {  	v58 =	vxor.u32 $0x80000000, v8  }
0x218: {  	(xrf0) =	vmax.scan.msk.u32 $0xffff, v58;
	s28 =	spop (v2sf)  }
0x219: {  	s0 =	sadd.s32 s28, s0  }
0x21a: {  	s0 =	sadd.s32 $0x80000000, s0  }
0x21b: {  	v8 =	vadd.s32 s0, v8  }
0x21c: {  	v59 =	vld.idx.msk [tilespmem:v6+s18+$0x50 ss:$0x1], $0xffff;
	_ =	sdelay $0x1  }
0x21d: {  	vm8 =	vle.s32 v8, v4;
	v8, _, _ =	vpop (xrf0)  }
0x21e: {  	vm9 =	vgt.s32 v7, v3;
	vm0 =	vmand vm7, vm8;
	(v2sf) =	vpush v8, $0xF  }
0x21f: {  	vm0 =	vmor vm9, vm0  }
0x220: {  	v7 =	vnsel vm0, $0x0, v59  }
0x221: {  	[tilespmem:v6+s18+$0x50 ss:$0x1] =	vst.idx.msk $0xffff, v7  }
0x222: {  	v7 =	vld.idx.msk [tilespmem:v5+s18+$0x60 ss:$0x1], $0xffff;
	_ =	sdelay $0x4  }
0x223: {  	vm10 =	veq.s32 v7, v3  }
0x224: {  	v8 =	vsel vm10, $0x1, v0  }
0x225: {  	(xrf0) =	vadd.scan.msk.s32 $0xffff, v8;
	_ =	sdelay $0x3  }
0x226: {  	s29 =	spop (v2sf)  }
0x227: {  	s0 =	sadd.s32 s29, s0  }
0x228: {  	v8 =	vld.idx.msk [tilespmem:v6+s18+$0x60 ss:$0x1], $0xffff;
	v60, _, _ =	vpop (xrf0);
	s0 =	sadd.s32 $0x80000000, s0  }
0x229: {  	v61 =	vadd.s32 s0, v60  }
0x22a: {  	vm11 =	vle.s32 v61, v4  }
0x22b: {  	vm12 =	vgt.s32 v7, v3;
	vm0 =	vmand vm10, vm11  }
0x22c: {  	vm0 =	vmor vm12, vm0  }
0x22d: {  	v7 =	vnsel vm0, $0x0, v8  }
0x22e: {  	[tilespmem:v6+s18+$0x60 ss:$0x1] =	vst.idx.msk $0xffff, v7  }
0x22f: {  	v7 =	vld.idx.msk [tilespmem:v5+s18+$0x70 ss:$0x1], $0xffff;
	_ =	sdelay $0x4  }
0x230: {  	v8 =	vxor.u32 $0x80000000, v60;
	vm13 =	veq.s32 v7, v3  }
0x231: {  	(xrf0) =	vmax.scan.msk.u32 $0xffff, v8;
	v8 =	vsel vm13, $0x1, v0  }
0x232: {  	(xrf0) =	vadd.scan.msk.s32 $0xffff, v8;
	_ =	sdelay $0x4  }
0x233: {  	v8, _, _ =	vpop (xrf0)  }
0x234: {  	v62, _, _ =	vpop (xrf0)  }
0x235: {  	v63 =	vxor.u32 $0x80000000, v62  }
0x236: {  	(xrf0) =	vmax.scan.msk.u32 $0xffff, v63  }
0x237: {  	(v2sf) =	vpush v8, $0xF;
	_ =	sdelay $0x4  }
0x238: {  	v8, _, _ =	vpop (xrf0)  }
0x239: {  	(v2sf) =	vpush v8, $0xF;
	_ =	sdelay $0x8  }
0x23a: {  	s30 =	spop (v2sf)  }
0x23b: {  	s0 =	sadd.s32 s30, s0  }
0x23c: {  	v8 =	vld.idx.msk [tilespmem:v6+s18+$0x70 ss:$0x1], $0xffff;
	s0 =	sadd.s32 $0x80000000, s0  }
0x23d: {  	p1 =	sne.s32 s20, $0x7C00;
	v9 =	vadd.s32 s0, v62  }
.Ltmp13:
0x23e: {  	vm14 =	vle.s32 v9, v4;
	(pc) =	sbr.rel @p1 .LBB2_14-.Ltmp13, $4  }
0x23f: {  	vm15 =	vgt.s32 v7, v3;
	vm0 =	vmand vm13, vm14  }
0x240: {  	vm0 =	vmor vm15, vm0;
	s31 =	spop (v2sf)  }
0x241: {  	v7 =	vnsel vm0, $0x0, v8;
	s0 =	sadd.s32 s31, s0  }
0x242: {  	s20 =	sadd.s32 $0x400, s20;
	[tilespmem:v6+s18+$0x70 ss:$0x1] =	vst.idx.msk $0xffff, v7;
	s19 =	sadd.s32 $0x80000000, s0  }
.Ltmp14:
0x243: {  	_ = 	snop;
	(pc) =	sbr.rel .LBB2_18-.Ltmp14, $1  }
0x244: {  	_ =	sdelay $0x3  }
.LBB2_20:
0x245: {  	_ =	sfence.sel $0x180000  }
0x246: {  	[bflag:$0x0] =	sbarrier.arrive $0xFFFF  }
0x247: {  	_ =	strace $0x90000047  }
0x248: {  	s0 =	stileid.u32;
	[bflag:$0x2] =	sbarrier.arrive $0xFFFF  }
0x249: {  	p0 =	sne.s32 s0, $0x0;
	s0 =	rddreg [dreg:$0x2]  }
0x24a: {  	s0 =	sadd.s32 @!p0 $0x100000, s0  }
0x24b: {  	[sflag:s0] =	ssyncadd.tile.s32 @!p0 $0x1;
	_ =	shalt  }
.Lfunc_end2:
_tile_overlayer_lowered:
.L_overlay_start_2:
0x24c: {  	(tag) =	ssettag $0x2  }
0x24d: {  	s0 =	rddreg [dreg:$0x0];
	s2 =	stileid.u32  }
0x24e: {  	s1 =	rddreg [dreg:$0x1];
	p0 =	sne.s32 s2, $0x0  }
0x24f: {  	s3 =	rddreg [dreg:$0x2];
	[bflag:$0x3] =	sbarrier.arrive $0xFFFF;
	s2 =	simm.s32 @!p0 $0x1C03  }
0x250: {  	[timem:s3], [sflag:s2] =	dma.local @!p0 [hbm:s0], s1  }
0x251: {  	s0 =	simm.s32 @!p0 $0x3  }
0x252: {  	_ =	swait.ge @!p0 [sflag:s0], s1  }
0x253: {  	s1 =	ssub.s32 @!p0 $0x0, s1;
	[sflag:s0] =	ssyncset.done @!p0 $0x0  }
0x254: {  	[sflag:s0] =	ssyncadd.s32 @!p0 s1  }
0x255: {  	[bflag:$0x3] =	sbarrier.arrive $0xFFFF  }
0x256: {  	_ =	shalt  }

</sc_bundles>
